<compile_context>
chip_gen: v7x
topology: tpu7x:2x2x1
jax: 0.10.2.dev20260603
libtpu: 0.0.44.dev20260713+nightly
codegen_flags: <defaults>
</compile_context>

<pallas_src>
import functools

import jax
import jax.numpy as jnp
from jax import lax
from jax.experimental import pallas as pl
from jax.experimental.pallas import tpu as pltpu
from jax.experimental.pallas import tpu_sc as plsc

N = 10000
E = 320000
D = 128
DE = 16

NC = 2
NS = 16
NW = NC * NS
EPW = E // NW
C = 128
NCHUNK = EPW // C
CT = EPW - NCHUNK * C

_MESH = plsc.VectorSubcoreMesh(core_axis_name="c", subcore_axis_name="s")


def _tc_a_body(x_ref, w1_ref, ad_ref, xw_ref, nl_ref):
    xb = x_ref[...]
    xw_ref[...] = jnp.dot(xb, w1_ref[...], preferred_element_type=jnp.float32)
    nl_ref[...] = jnp.sum(xb * ad_ref[...], axis=1, keepdims=True)


def _tc_a(x, w1, ad_row):
    blk = 400
    return pl.pallas_call(
        _tc_a_body,
        grid=(N // blk,),
        in_specs=[
            pl.BlockSpec((blk, D), lambda i: (i, 0)),
            pl.BlockSpec((D, D), lambda i: (0, 0)),
            pl.BlockSpec((1, D), lambda i: (0, 0)),
        ],
        out_specs=[
            pl.BlockSpec((blk, D), lambda i: (i, 0)),
            pl.BlockSpec((blk, 1), lambda i: (i, 0)),
        ],
        out_shape=[
            jax.ShapeDtypeStruct((N, D), jnp.float32),
            jax.ShapeDtypeStruct((N, 1), jnp.float32),
        ],
    )(x, w1, ad_row)


def _sc_gather_body(xw_hbm, nl_hbm, src_hbm, dst_hbm, g_hbm, nld_hbm,
                    idx_v, didx_v, rows_v, nld_v, idx2_v, didx2_v,
                    rows2_v, nld2_v, idxt_v, didxt_v, rowst_v, nldt_v,
                    sema, semb, sem):
    wid = lax.axis_index("s") * NC + lax.axis_index("c")
    base0 = wid * EPW

    def issue(k, iv, div, rv, nv, sm):
        base = base0 + k * C
        pltpu.sync_copy(src_hbm.at[pl.ds(base, C)], iv)
        pltpu.sync_copy(dst_hbm.at[pl.ds(base, C)], div)
        pltpu.async_copy(xw_hbm.at[iv], rv, sm)
        pltpu.async_copy(nl_hbm.at[div], nv, sm)

    def drain_wb(k, iv, div, rv, nv, sm):
        base = base0 + k * C
        pltpu.make_async_copy(xw_hbm.at[iv], rv, sm).wait()
        pltpu.make_async_copy(nl_hbm.at[div], nv, sm).wait()
        pltpu.sync_copy(rv, g_hbm.at[pl.ds(base, C)])
        pltpu.sync_copy(nv, nld_hbm.at[pl.ds(base, C)])

    issue(0, idx_v, didx_v, rows_v, nld_v, sema)

    def pair(k2, carry):
        c0 = 2 * k2
        issue(c0 + 1, idx2_v, didx2_v, rows2_v, nld2_v, semb)
        drain_wb(c0, idx_v, didx_v, rows_v, nld_v, sema)

        @pl.when(k2 < NCHUNK // 2 - 1)
        def _():
            issue(c0 + 2, idx_v, didx_v, rows_v, nld_v, sema)

        drain_wb(c0 + 1, idx2_v, didx2_v, rows2_v, nld2_v, semb)
        return carry

    lax.fori_loop(0, NCHUNK // 2, pair, 0)

    base = base0 + NCHUNK * C
    pltpu.sync_copy(src_hbm.at[pl.ds(base, CT)], idxt_v)
    pltpu.sync_copy(dst_hbm.at[pl.ds(base, CT)], didxt_v)
    pltpu.async_copy(xw_hbm.at[idxt_v], rowst_v, sem).wait()
    pltpu.sync_copy(rowst_v, g_hbm.at[pl.ds(base, CT)])
    pltpu.async_copy(nl_hbm.at[didxt_v], nldt_v, sem).wait()
    pltpu.sync_copy(nldt_v, nld_hbm.at[pl.ds(base, CT)])


def _sc_gather(xw, nl, src, dst):
    return pl.kernel(
        _sc_gather_body,
        out_type=[
            jax.ShapeDtypeStruct((E, D), jnp.float32),
            jax.ShapeDtypeStruct((E,), jnp.float32),
        ],
        mesh=_MESH,
        scratch_types=[
            pltpu.VMEM((C,), jnp.int32),
            pltpu.VMEM((C,), jnp.int32),
            pltpu.VMEM((C, D), jnp.float32),
            pltpu.VMEM((C,), jnp.float32),
            pltpu.VMEM((C,), jnp.int32),
            pltpu.VMEM((C,), jnp.int32),
            pltpu.VMEM((C, D), jnp.float32),
            pltpu.VMEM((C,), jnp.float32),
            pltpu.VMEM((CT,), jnp.int32),
            pltpu.VMEM((CT,), jnp.int32),
            pltpu.VMEM((CT, D), jnp.float32),
            pltpu.VMEM((CT,), jnp.float32),
            pltpu.SemaphoreType.DMA,
            pltpu.SemaphoreType.DMA,
            pltpu.SemaphoreType.DMA,
        ],
    )(xw, nl, src, dst)


EB = 2560
GB = E // EB


def _tc_b1_body(g_ref, ea_ref, nld_ref, w2_ref, ae_ref, logit_ref, m_ref):
    i = pl.program_id(0)
    e = jnp.maximum(
        g_ref[...] + jnp.dot(ea_ref[...], w2_ref[...],
                             preferred_element_type=jnp.float32), 0.0)
    s = jnp.dot(e, ae_ref[...], preferred_element_type=jnp.float32) + nld_ref[...]
    l = jnp.where(s >= 0, s, 0.2 * s)
    logit_ref[...] = l

    @pl.when(i == 0)
    def _():
        m_ref[...] = jnp.full((1, 1), -jnp.inf, jnp.float32)

    m_ref[...] = jnp.maximum(m_ref[...], jnp.max(l))


def _tc_b1(g, ea, nld2, w2, ae):
    return pl.pallas_call(
        _tc_b1_body,
        grid=(GB,),
        in_specs=[
            pl.BlockSpec((EB, D), lambda i: (i, 0)),
            pl.BlockSpec((EB, DE), lambda i: (i, 0)),
            pl.BlockSpec((EB, 1), lambda i: (i, 0)),
            pl.BlockSpec((DE, D), lambda i: (0, 0)),
            pl.BlockSpec((D, 1), lambda i: (0, 0)),
        ],
        out_specs=[
            pl.BlockSpec((EB, 1), lambda i: (i, 0)),
            pl.BlockSpec((1, 1), lambda i: (0, 0)),
        ],
        out_shape=[
            jax.ShapeDtypeStruct((E, 1), jnp.float32),
            jax.ShapeDtypeStruct((1, 1), jnp.float32),
        ],
    )(g, ea, nld2, w2, ae)


def _tc_b2_body(g_ref, ea_ref, logit_ref, m_ref, w2_ref, we_ref, ex_ref):
    e = jnp.maximum(
        g_ref[...] + jnp.dot(ea_ref[...], w2_ref[...],
                             preferred_element_type=jnp.float32), 0.0)
    ex = jnp.exp(logit_ref[...] - m_ref[...])
    ex_ref[...] = ex
    we_ref[...] = e * ex


def _tc_b2(g, ea, logit2, m, w2):
    return pl.pallas_call(
        _tc_b2_body,
        grid=(GB,),
        in_specs=[
            pl.BlockSpec((EB, D), lambda i: (i, 0)),
            pl.BlockSpec((EB, DE), lambda i: (i, 0)),
            pl.BlockSpec((EB, 1), lambda i: (i, 0)),
            pl.BlockSpec((1, 1), lambda i: (0, 0)),
            pl.BlockSpec((DE, D), lambda i: (0, 0)),
        ],
        out_specs=[
            pl.BlockSpec((EB, D), lambda i: (i, 0)),
            pl.BlockSpec((EB, 1), lambda i: (i, 0)),
        ],
        out_shape=[
            jax.ShapeDtypeStruct((E, D), jnp.float32),
            jax.ShapeDtypeStruct((E, 1), jnp.float32),
        ],
    )(g, ea, logit2, m, w2)


ZR = 624


def _sc_scatter_body(we_hbm, ex_hbm, dst_hbm, u0_hbm, u1_hbm, d0_hbm, d1_hbm,
                     wv, exv, didx_v, wvt, exvt, didxt_v, zb, u_sh, den_sh):
    cid = lax.axis_index("c")
    sid = lax.axis_index("s")
    wid = sid * NC + cid
    base0 = wid * EPW

    zero16 = jnp.zeros((16,), jnp.float32)

    def z1(r, carry):
        for j in range(D // 16):
            zb[r, pl.ds(16 * j, 16)] = zero16
        return carry

    lax.fori_loop(0, 16, z1, 0)

    def zcopy(p, carry):
        pltpu.sync_copy(zb, u_sh.at[pl.ds(sid * ZR + p * 16, 16)])
        pltpu.sync_copy(zb.at[0, pl.ds(0, 16)],
                        den_sh.at[pl.ds(sid * ZR + p * 16, 16)])
        return carry

    lax.fori_loop(0, ZR // 16, zcopy, 0)

    @pl.when(sid == NS - 1)
    def _():
        pltpu.sync_copy(zb, u_sh.at[pl.ds(NS * ZR, N - NS * ZR)])
        pltpu.sync_copy(zb.at[0, pl.ds(0, 16)],
                        den_sh.at[pl.ds(NS * ZR, N - NS * ZR)])

    plsc.subcore_barrier()

    def chunk(k, carry):
        base = base0 + k * C
        pltpu.sync_copy(dst_hbm.at[pl.ds(base, C)], didx_v)
        pltpu.sync_copy(we_hbm.at[pl.ds(base, C)], wv)
        pltpu.sync_copy(wv, u_sh.at[didx_v], add=True)
        pltpu.sync_copy(ex_hbm.at[pl.ds(base, C)], exv)
        pltpu.sync_copy(exv, den_sh.at[didx_v], add=True)
        return carry

    lax.fori_loop(0, NCHUNK, chunk, 0)

    base = base0 + NCHUNK * C
    pltpu.sync_copy(dst_hbm.at[pl.ds(base, CT)], didxt_v)
    pltpu.sync_copy(we_hbm.at[pl.ds(base, CT)], wvt)
    pltpu.sync_copy(wvt, u_sh.at[didxt_v], add=True)
    pltpu.sync_copy(ex_hbm.at[pl.ds(base, CT)], exvt)
    pltpu.sync_copy(exvt, den_sh.at[didxt_v], add=True)
    plsc.subcore_barrier()

    def dump(u_hbm, d_hbm):
        pltpu.sync_copy(u_sh.at[pl.ds(sid * ZR, ZR)],
                        u_hbm.at[pl.ds(sid * ZR, ZR)])

        @pl.when(sid == NS - 1)
        def _():
            pltpu.sync_copy(u_sh.at[pl.ds(NS * ZR, N - NS * ZR)],
                            u_hbm.at[pl.ds(NS * ZR, N - NS * ZR)])

        @pl.when(sid == 0)
        def _():
            pltpu.sync_copy(den_sh, d_hbm)

    @pl.when(cid == 0)
    def _():
        dump(u0_hbm, d0_hbm)

    @pl.when(cid == 1)
    def _():
        dump(u1_hbm, d1_hbm)


def _sc_scatter(we, ex, dst):
    return pl.kernel(
        _sc_scatter_body,
        out_type=[
            jax.ShapeDtypeStruct((N, D), jnp.float32),
            jax.ShapeDtypeStruct((N, D), jnp.float32),
            jax.ShapeDtypeStruct((N,), jnp.float32),
            jax.ShapeDtypeStruct((N,), jnp.float32),
        ],
        mesh=_MESH,
        scratch_types=[
            pltpu.VMEM((C, D), jnp.float32),
            pltpu.VMEM((C,), jnp.float32),
            pltpu.VMEM((C,), jnp.int32),
            pltpu.VMEM((CT, D), jnp.float32),
            pltpu.VMEM((CT,), jnp.float32),
            pltpu.VMEM((CT,), jnp.int32),
            pltpu.VMEM((16, D), jnp.float32),
            pltpu.VMEM_SHARED((N, D), jnp.float32),
            pltpu.VMEM_SHARED((N,), jnp.float32),
        ],
    )(we, ex, dst)


def _tc_c_body(u0_ref, u1_ref, d0_ref, d1_ref, x_ref,
               wz1_ref, wz2_ref, wr1_ref, wr2_ref, wh1_ref, wh2_ref,
               bz_ref, br_ref, bh_ref, out_ref):
    den = d0_ref[...] + d1_ref[...] + 1e-9
    agg = (u0_ref[...] + u1_ref[...]) / den
    xb = x_ref[...]

    def mm(a, b):
        return jnp.dot(a, b, preferred_element_type=jnp.float32)

    z = jax.nn.sigmoid(mm(agg, wz1_ref[...]) + mm(xb, wz2_ref[...]) + bz_ref[...])
    r = jax.nn.sigmoid(mm(agg, wr1_ref[...]) + mm(xb, wr2_ref[...]) + br_ref[...])
    h = jnp.tanh(mm(agg, wh1_ref[...]) + mm(r * xb, wh2_ref[...]) + bh_ref[...])
    out_ref[...] = (1.0 - z) * xb + z * h


def _tc_c(u0, u1, d0, d1, x, wz1, wz2, wr1, wr2, wh1, wh2, bz, br, bh):
    blk = 400
    nspec = pl.BlockSpec((blk, D), lambda i: (i, 0))
    dspec = pl.BlockSpec((blk, 1), lambda i: (i, 0))
    wspec = pl.BlockSpec((D, D), lambda i: (0, 0))
    bspec = pl.BlockSpec((1, D), lambda i: (0, 0))
    return pl.pallas_call(
        _tc_c_body,
        grid=(N // blk,),
        in_specs=[nspec, nspec, dspec, dspec, nspec,
                  wspec, wspec, wspec, wspec, wspec, wspec,
                  bspec, bspec, bspec],
        out_specs=nspec,
        out_shape=jax.ShapeDtypeStruct((N, D), jnp.float32),
    )(u0, u1, d0, d1, x, wz1, wz2, wr1, wr2, wh1, wh2, bz, br, bh)


def kernel(x, edge_attr, W_edge, a_att, W_z, b_z, W_r, b_r, W_h, b_h, edge_index):
    src = edge_index[0].astype(jnp.int32)
    dst = edge_index[1].astype(jnp.int32)
    w1 = W_edge[:D]
    w2 = W_edge[D:]
    ad_row = a_att[:D, 0].reshape(1, D)
    ae = a_att[D:]

    xw, nl2 = _tc_a(x, w1, ad_row)
    g, nld = _sc_gather(xw, nl2.reshape(N), src, dst)
    logit2, m = _tc_b1(g, edge_attr, nld.reshape(E, 1), w2, ae)
    we, ex2 = _tc_b2(g, edge_attr, logit2, m, w2)
    u0, u1, d0, d1 = _sc_scatter(we, ex2.reshape(E), dst)

    out = _tc_c(u0, u1, d0.reshape(N, 1), d1.reshape(N, 1), x,
                W_z[:D], W_z[D:], W_r[:D], W_r[D:], W_h[:D], W_h[D:],
                b_z.reshape(1, D), b_r.reshape(1, D), b_h.reshape(1, D))
    return out

# --- scband reference (transcript-rebuilt; emitter-appended) ---
"""Pipeline reference for scband-bio-mip-encoder-25331717112191 (READ-ONLY COPY).

The authoritative reference and input builder live on the scoring server;
editing this copy changes nothing except your own understanding.
"""

import jax, jax.numpy as jnp
import numpy as np

N = 10000
E = 320000
D = 128
DE = 16


def setup_inputs(seed: int = 0) -> dict:
    key = jax.random.key(seed)
    ks = jax.random.split(key, 12)
    s = 0.05
    x = jax.random.normal(ks[0], (N, D), dtype=jnp.float32)
    edge_index = jax.random.randint(ks[1], (2, E), 0, N, dtype=jnp.int64)
    edge_attr = jax.random.normal(ks[2], (E, DE), dtype=jnp.float32)
    W_edge = jax.random.normal(ks[3], (D + DE, D), dtype=jnp.float32) * s
    a_att = jax.random.normal(ks[4], (2 * D, 1), dtype=jnp.float32) * s
    W_z = jax.random.normal(ks[5], (2 * D, D), dtype=jnp.float32) * s
    b_z = jnp.zeros((D,), dtype=jnp.float32)
    W_r = jax.random.normal(ks[6], (2 * D, D), dtype=jnp.float32) * s
    b_r = jnp.zeros((D,), dtype=jnp.float32)
    W_h = jax.random.normal(ks[7], (2 * D, D), dtype=jnp.float32) * s
    b_h = jnp.zeros((D,), dtype=jnp.float32)
    return {"x": x, "edge_attr": edge_attr, "W_edge": W_edge, "a_att": a_att,
            "W_z": W_z, "b_z": b_z, "W_r": W_r, "b_r": b_r, "W_h": W_h, "b_h": b_h,
            "edge_index": edge_index}


def reference(x, edge_attr, W_edge, a_att, W_z, b_z, W_r, b_r, W_h, b_h, edge_index):
    # AttentiveFP-style intra-molecular message passing layer (core of BioMIP_encoder.small_intra):
    # edge-conditioned messages, dst-segment attention softmax, GRU node update.
    src = edge_index[0]
    dst = edge_index[1]
    h_src = jnp.take(x, src, axis=0)                    # gather [E, D]
    e = jax.nn.relu(jnp.concatenate([h_src, edge_attr], axis=-1) @ W_edge)  # [E, D]
    h_dst = jnp.take(x, dst, axis=0)                    # gather [E, D]
    logits = jax.nn.leaky_relu(jnp.concatenate([h_dst, e], axis=-1) @ a_att, 0.2)[:, 0]  # [E]
    # segment softmax over incoming edges per dst node
    m = jax.ops.segment_max(logits, dst, num_segments=N)
    m = jnp.where(jnp.isfinite(m), m, 0.0)
    ex = jnp.exp(logits - jnp.take(m, dst, axis=0))
    denom = jax.ops.segment_sum(ex, dst, num_segments=N) + 1e-9
    alpha = ex / jnp.take(denom, dst, axis=0)           # [E]
    agg = jax.ops.segment_sum(alpha[:, None] * e, dst, num_segments=N)  # scatter-add [N, D]
    # GRU update (context = agg, hidden = x)
    zr_in = jnp.concatenate([agg, x], axis=-1)
    z = jax.nn.sigmoid(zr_in @ W_z + b_z)
    r = jax.nn.sigmoid(zr_in @ W_r + b_r)
    h_tilde = jnp.tanh(jnp.concatenate([agg, r * x], axis=-1) @ W_h + b_h)
    out = (1.0 - z) * x + z * h_tilde
    return out

if __name__ == "__main__":
    import jax
    _d = setup_inputs()
    print(jax.jit(kernel)(*tuple(_d.values())))

</pallas_src>

<mosaic_0001>
#map = affine_map<(d0, d1) -> (0, 0)>
#map1 = affine_map<(d0, d1) -> (0)>
module attributes {stable_mosaic.version = 14 : i64} {
  func.func @_sc_gather_body(%arg0: i32, %arg1: i32, %arg2: memref<10000x128xf32, #tpu.memory_space<hbm>>, %arg3: memref<10000xf32, #tpu.memory_space<hbm>>, %arg4: memref<320000xi32, #tpu.memory_space<hbm>>, %arg5: memref<320000xi32, #tpu.memory_space<hbm>>, %arg6: memref<320000x128xf32, #tpu.memory_space<hbm>>, %arg7: memref<320000xf32, #tpu.memory_space<hbm>>, %arg8: memref<128xi32, #tpu.memory_space<vmem>>, %arg9: memref<128xi32, #tpu.memory_space<vmem>>, %arg10: memref<128x128xf32, #tpu.memory_space<vmem>>, %arg11: memref<128xf32, #tpu.memory_space<vmem>>, %arg12: memref<128xi32, #tpu.memory_space<vmem>>, %arg13: memref<128xi32, #tpu.memory_space<vmem>>, %arg14: memref<128x128xf32, #tpu.memory_space<vmem>>, %arg15: memref<128xf32, #tpu.memory_space<vmem>>, %arg16: memref<16xi32, #tpu.memory_space<vmem>>, %arg17: memref<16xi32, #tpu.memory_space<vmem>>, %arg18: memref<16x128xf32, #tpu.memory_space<vmem>>, %arg19: memref<16xf32, #tpu.memory_space<vmem>>, %arg20: memref<!tpu.dma_semaphore, #tpu.memory_space<semaphore_mem>>, %arg21: memref<!tpu.dma_semaphore, #tpu.memory_space<semaphore_mem>>, %arg22: memref<!tpu.dma_semaphore, #tpu.memory_space<semaphore_mem>>) attributes {dimension_semantics = [#tpu.dimension_semantics<core_parallel>, #tpu.dimension_semantics<subcore_parallel>], iteration_bounds = array<i64: 2, 16>, scalar_prefetch = 0 : i64, scratch_operands = 15 : i64, tpu.core_type = #tpu.core_type<sc_vector_subcore>, window_params = [{transform_indices = #map}, {transform_indices = #map1}, {transform_indices = #map1}, {transform_indices = #map1}, {transform_indices = #map}, {transform_indices = #map1}]} {
    %mul3A = arith.constant 2 : i32
    %mul3A_0 = arith.muli %arg1, %mul3A : i32
    %add3A = arith.addi %mul3A_0, %arg0 : i32
    %mul3A_1 = arith.constant 10000 : i32
    %mul3A_2 = arith.muli %add3A, %mul3A_1 : i32
    %add3A_3 = arith.constant 0 : i32
    %add3A_4 = arith.addi %mul3A_2, %add3A_3 : i32
    "tpu.region"() ({
      %run_scoped3A = tpu.sem_alloc : memref<!tpu.dma_semaphore, #tpu.memory_space<semaphore_mem>>
      %dma_start3A_25 = tpu.memref_slice %arg4[%add3A_4] : memref<320000xi32, #tpu.memory_space<hbm>> -> memref<128xi32, #tpu.memory_space<hbm>>
      %dma_start3A_26 = tpu.memref_slice %arg4[%add3A_4] : memref<320000xi32, #tpu.memory_space<hbm>> -> memref<128xi32, #tpu.memory_space<hbm>>
      tpu.enqueue_dma source(%dma_start3A_26 : memref<128xi32, #tpu.memory_space<hbm>>) target(%arg8 : memref<128xi32, #tpu.memory_space<vmem>>) target_semaphore(%run_scoped3A : memref<!tpu.dma_semaphore, #tpu.memory_space<semaphore_mem>>)
      %dma_wait3A_27 = tpu.memref_slice %arg4[%add3A_4] : memref<320000xi32, #tpu.memory_space<hbm>> -> memref<128xi32, #tpu.memory_space<hbm>>
      %dma_wait3A_28 = tpu.memref_slice %arg4[%add3A_4] : memref<320000xi32, #tpu.memory_space<hbm>> -> memref<128xi32, #tpu.memory_space<hbm>>
      tpu.wait_dma2 semaphore(%run_scoped3A : memref<!tpu.dma_semaphore, #tpu.memory_space<semaphore_mem>>) src(%dma_wait3A_28 : memref<128xi32, #tpu.memory_space<hbm>>) dst(%arg8 : memref<128xi32, #tpu.memory_space<vmem>>)
      tpu.yield
    }) : () -> ()
    "tpu.region"() ({
      %run_scoped3A = tpu.sem_alloc : memref<!tpu.dma_semaphore, #tpu.memory_space<semaphore_mem>>
      %dma_start3A_25 = tpu.memref_slice %arg5[%add3A_4] : memref<320000xi32, #tpu.memory_space<hbm>> -> memref<128xi32, #tpu.memory_space<hbm>>
      %dma_start3A_26 = tpu.memref_slice %arg5[%add3A_4] : memref<320000xi32, #tpu.memory_space<hbm>> -> memref<128xi32, #tpu.memory_space<hbm>>
      tpu.enqueue_dma source(%dma_start3A_26 : memref<128xi32, #tpu.memory_space<hbm>>) target(%arg9 : memref<128xi32, #tpu.memory_space<vmem>>) target_semaphore(%run_scoped3A : memref<!tpu.dma_semaphore, #tpu.memory_space<semaphore_mem>>)
      %dma_wait3A_27 = tpu.memref_slice %arg5[%add3A_4] : memref<320000xi32, #tpu.memory_space<hbm>> -> memref<128xi32, #tpu.memory_space<hbm>>
      %dma_wait3A_28 = tpu.memref_slice %arg5[%add3A_4] : memref<320000xi32, #tpu.memory_space<hbm>> -> memref<128xi32, #tpu.memory_space<hbm>>
      tpu.wait_dma2 semaphore(%run_scoped3A : memref<!tpu.dma_semaphore, #tpu.memory_space<semaphore_mem>>) src(%dma_wait3A_28 : memref<128xi32, #tpu.memory_space<hbm>>) dst(%arg9 : memref<128xi32, #tpu.memory_space<vmem>>)
      tpu.yield
    }) : () -> ()
    %dma_start3A = arith.constant 0 : i32
    %dma_start3A_5 = arith.constant 0 : i32
    %dma_start3A_6 = tpu.memref_slice %arg2[%dma_start3A, %dma_start3A_5] : memref<10000x128xf32, #tpu.memory_space<hbm>> -> memref<10000x128xf32, #tpu.memory_space<hbm>>
    tpu.enqueue_indirect_dma source(%dma_start3A_6 : memref<10000x128xf32, #tpu.memory_space<hbm>>) target(%arg10 : memref<128x128xf32, #tpu.memory_space<vmem>>) offsets(%arg8 : memref<128xi32, #tpu.memory_space<vmem>>) semaphore(%arg20 : memref<!tpu.dma_semaphore, #tpu.memory_space<semaphore_mem>>)
    %dma_start3A_7 = arith.constant 0 : i32
    %dma_start3A_8 = tpu.memref_slice %arg3[%dma_start3A_7] : memref<10000xf32, #tpu.memory_space<hbm>> -> memref<10000xf32, #tpu.memory_space<hbm>>
    tpu.enqueue_indirect_dma source(%dma_start3A_8 : memref<10000xf32, #tpu.memory_space<hbm>>) target(%arg11 : memref<128xf32, #tpu.memory_space<vmem>>) offsets(%arg9 : memref<128xi32, #tpu.memory_space<vmem>>) semaphore(%arg20 : memref<!tpu.dma_semaphore, #tpu.memory_space<semaphore_mem>>)
    %scan3A = arith.constant 0 : i32
    %scan3A_9 = arith.constant 0 : i32
    %scan3A_10 = arith.constant 39 : i32
    %scan3A_11 = arith.addi %scan3A_9, %scan3A_10 : i32
    %scan3A_12 = arith.constant 1 : i32
    scf.for %scan3A_25 = %scan3A_9 to %scan3A_11 step %scan3A_12  : i32 {
      %mul3A_26 = arith.constant 2 : i32
      %mul3A_27 = arith.muli %mul3A_26, %scan3A_25 : i32
      %add3A_28 = arith.constant 1 : i32
      %add3A_29 = arith.addi %mul3A_27, %add3A_28 : i32
      %mul3A_30 = arith.constant 128 : i32
      %mul3A_31 = arith.muli %add3A_29, %mul3A_30 : i32
      %add3A_32 = arith.addi %mul3A_2, %mul3A_31 : i32
      "tpu.region"() ({
        %run_scoped3A = tpu.sem_alloc : memref<!tpu.dma_semaphore, #tpu.memory_space<semaphore_mem>>
        %dma_start3A_58 = tpu.memref_slice %arg4[%add3A_32] : memref<320000xi32, #tpu.memory_space<hbm>> -> memref<128xi32, #tpu.memory_space<hbm>>
        %dma_start3A_59 = tpu.memref_slice %arg4[%add3A_32] : memref<320000xi32, #tpu.memory_space<hbm>> -> memref<128xi32, #tpu.memory_space<hbm>>
        tpu.enqueue_dma source(%dma_start3A_59 : memref<128xi32, #tpu.memory_space<hbm>>) target(%arg12 : memref<128xi32, #tpu.memory_space<vmem>>) target_semaphore(%run_scoped3A : memref<!tpu.dma_semaphore, #tpu.memory_space<semaphore_mem>>)
        %dma_wait3A_60 = tpu.memref_slice %arg4[%add3A_32] : memref<320000xi32, #tpu.memory_space<hbm>> -> memref<128xi32, #tpu.memory_space<hbm>>
        %dma_wait3A_61 = tpu.memref_slice %arg4[%add3A_32] : memref<320000xi32, #tpu.memory_space<hbm>> -> memref<128xi32, #tpu.memory_space<hbm>>
        tpu.wait_dma2 semaphore(%run_scoped3A : memref<!tpu.dma_semaphore, #tpu.memory_space<semaphore_mem>>) src(%dma_wait3A_61 : memref<128xi32, #tpu.memory_space<hbm>>) dst(%arg12 : memref<128xi32, #tpu.memory_space<vmem>>)
        tpu.yield
      }) : () -> ()
      "tpu.region"() ({
        %run_scoped3A = tpu.sem_alloc : memref<!tpu.dma_semaphore, #tpu.memory_space<semaphore_mem>>
        %dma_start3A_58 = tpu.memref_slice %arg5[%add3A_32] : memref<320000xi32, #tpu.memory_space<hbm>> -> memref<128xi32, #tpu.memory_space<hbm>>
        %dma_start3A_59 = tpu.memref_slice %arg5[%add3A_32] : memref<320000xi32, #tpu.memory_space<hbm>> -> memref<128xi32, #tpu.memory_space<hbm>>
        tpu.enqueue_dma source(%dma_start3A_59 : memref<128xi32, #tpu.memory_space<hbm>>) target(%arg13 : memref<128xi32, #tpu.memory_space<vmem>>) target_semaphore(%run_scoped3A : memref<!tpu.dma_semaphore, #tpu.memory_space<semaphore_mem>>)
        %dma_wait3A_60 = tpu.memref_slice %arg5[%add3A_32] : memref<320000xi32, #tpu.memory_space<hbm>> -> memref<128xi32, #tpu.memory_space<hbm>>
        %dma_wait3A_61 = tpu.memref_slice %arg5[%add3A_32] : memref<320000xi32, #tpu.memory_space<hbm>> -> memref<128xi32, #tpu.memory_space<hbm>>
        tpu.wait_dma2 semaphore(%run_scoped3A : memref<!tpu.dma_semaphore, #tpu.memory_space<semaphore_mem>>) src(%dma_wait3A_61 : memref<128xi32, #tpu.memory_space<hbm>>) dst(%arg13 : memref<128xi32, #tpu.memory_space<vmem>>)
        tpu.yield
      }) : () -> ()
      %dma_start3A_33 = arith.constant 0 : i32
      %dma_start3A_34 = arith.constant 0 : i32
      %dma_start3A_35 = tpu.memref_slice %arg2[%dma_start3A_33, %dma_start3A_34] : memref<10000x128xf32, #tpu.memory_space<hbm>> -> memref<10000x128xf32, #tpu.memory_space<hbm>>
      tpu.enqueue_indirect_dma source(%dma_start3A_35 : memref<10000x128xf32, #tpu.memory_space<hbm>>) target(%arg14 : memref<128x128xf32, #tpu.memory_space<vmem>>) offsets(%arg12 : memref<128xi32, #tpu.memory_space<vmem>>) semaphore(%arg21 : memref<!tpu.dma_semaphore, #tpu.memory_space<semaphore_mem>>)
      %dma_start3A_36 = arith.constant 0 : i32
      %dma_start3A_37 = tpu.memref_slice %arg3[%dma_start3A_36] : memref<10000xf32, #tpu.memory_space<hbm>> -> memref<10000xf32, #tpu.memory_space<hbm>>
      tpu.enqueue_indirect_dma source(%dma_start3A_37 : memref<10000xf32, #tpu.memory_space<hbm>>) target(%arg15 : memref<128xf32, #tpu.memory_space<vmem>>) offsets(%arg13 : memref<128xi32, #tpu.memory_space<vmem>>) semaphore(%arg21 : memref<!tpu.dma_semaphore, #tpu.memory_space<semaphore_mem>>)
      %mul3A_38 = arith.constant 128 : i32
      %mul3A_39 = arith.muli %mul3A_27, %mul3A_38 : i32
      %add3A_40 = arith.addi %mul3A_2, %mul3A_39 : i32
      %dma_wait3A_41 = arith.constant 0 : i32
      %dma_wait3A_42 = arith.constant 0 : i32
      %dma_wait3A_43 = tpu.memref_slice %arg2[%dma_wait3A_41, %dma_wait3A_42] : memref<10000x128xf32, #tpu.memory_space<hbm>> -> memref<10000x128xf32, #tpu.memory_space<hbm>>
      tpu.wait_indirect_dma semaphore(%arg20 : memref<!tpu.dma_semaphore, #tpu.memory_space<semaphore_mem>>) src(%dma_wait3A_43 : memref<10000x128xf32, #tpu.memory_space<hbm>>) dst(%arg10 : memref<128x128xf32, #tpu.memory_space<vmem>>)
      %dma_wait3A_44 = arith.constant 0 : i32
      %dma_wait3A_45 = tpu.memref_slice %arg3[%dma_wait3A_44] : memref<10000xf32, #tpu.memory_space<hbm>> -> memref<10000xf32, #tpu.memory_space<hbm>>
      tpu.wait_indirect_dma semaphore(%arg20 : memref<!tpu.dma_semaphore, #tpu.memory_space<semaphore_mem>>) src(%dma_wait3A_45 : memref<10000xf32, #tpu.memory_space<hbm>>) dst(%arg11 : memref<128xf32, #tpu.memory_space<vmem>>)
      "tpu.region"() ({
        %run_scoped3A = tpu.sem_alloc : memref<!tpu.dma_semaphore, #tpu.memory_space<semaphore_mem>>
        %dma_start3A_58 = arith.constant 0 : i32
        %dma_start3A_59 = tpu.memref_slice %arg6[%add3A_40, %dma_start3A_58] : memref<320000x128xf32, #tpu.memory_space<hbm>> -> memref<128x128xf32, #tpu.memory_space<hbm>>
        %dma_start3A_60 = arith.constant 0 : i32
        %dma_start3A_61 = tpu.memref_slice %arg6[%add3A_40, %dma_start3A_60] : memref<320000x128xf32, #tpu.memory_space<hbm>> -> memref<128x128xf32, #tpu.memory_space<hbm>>
        tpu.enqueue_dma source(%arg10 : memref<128x128xf32, #tpu.memory_space<vmem>>) target(%dma_start3A_61 : memref<128x128xf32, #tpu.memory_space<hbm>>) target_semaphore(%run_scoped3A : memref<!tpu.dma_semaphore, #tpu.memory_space<semaphore_mem>>)
        %dma_wait3A_62 = arith.constant 0 : i32
        %dma_wait3A_63 = tpu.memref_slice %arg6[%add3A_40, %dma_wait3A_62] : memref<320000x128xf32, #tpu.memory_space<hbm>> -> memref<128x128xf32, #tpu.memory_space<hbm>>
        %dma_wait3A_64 = arith.constant 0 : i32
        %dma_wait3A_65 = tpu.memref_slice %arg6[%add3A_40, %dma_wait3A_64] : memref<320000x128xf32, #tpu.memory_space<hbm>> -> memref<128x128xf32, #tpu.memory_space<hbm>>
        tpu.wait_dma2 semaphore(%run_scoped3A : memref<!tpu.dma_semaphore, #tpu.memory_space<semaphore_mem>>) src(%arg10 : memref<128x128xf32, #tpu.memory_space<vmem>>) dst(%dma_wait3A_65 : memref<128x128xf32, #tpu.memory_space<hbm>>)
        tpu.yield
      }) : () -> ()
      "tpu.region"() ({
        %run_scoped3A = tpu.sem_alloc : memref<!tpu.dma_semaphore, #tpu.memory_space<semaphore_mem>>
        %dma_start3A_58 = tpu.memref_slice %arg7[%add3A_40] : memref<320000xf32, #tpu.memory_space<hbm>> -> memref<128xf32, #tpu.memory_space<hbm>>
        %dma_start3A_59 = tpu.memref_slice %arg7[%add3A_40] : memref<320000xf32, #tpu.memory_space<hbm>> -> memref<128xf32, #tpu.memory_space<hbm>>
        tpu.enqueue_dma source(%arg11 : memref<128xf32, #tpu.memory_space<vmem>>) target(%dma_start3A_59 : memref<128xf32, #tpu.memory_space<hbm>>) target_semaphore(%run_scoped3A : memref<!tpu.dma_semaphore, #tpu.memory_space<semaphore_mem>>)
        %dma_wait3A_60 = tpu.memref_slice %arg7[%add3A_40] : memref<320000xf32, #tpu.memory_space<hbm>> -> memref<128xf32, #tpu.memory_space<hbm>>
        %dma_wait3A_61 = tpu.memref_slice %arg7[%add3A_40] : memref<320000xf32, #tpu.memory_space<hbm>> -> memref<128xf32, #tpu.memory_space<hbm>>
        tpu.wait_dma2 semaphore(%run_scoped3A : memref<!tpu.dma_semaphore, #tpu.memory_space<semaphore_mem>>) src(%arg11 : memref<128xf32, #tpu.memory_space<vmem>>) dst(%dma_wait3A_61 : memref<128xf32, #tpu.memory_space<hbm>>)
        tpu.yield
      }) : () -> ()
      %lt3A = arith.constant 38 : i32
      %lt3A_46 = arith.cmpi slt, %scan3A_25, %lt3A : i32
      %convert_element_type3A = arith.extui %lt3A_46 : i1 to i32
      %cond3A = arith.constant 0 : i32
      %cond3A_47 = arith.cmpi ne, %convert_element_type3A, %cond3A : i32
      scf.if %cond3A_47 {
        %add3A_58 = arith.constant 2 : i32
        %add3A_59 = arith.addi %mul3A_27, %add3A_58 : i32
        %mul3A_60 = arith.constant 128 : i32
        %mul3A_61 = arith.muli %add3A_59, %mul3A_60 : i32
        %add3A_62 = arith.addi %mul3A_2, %mul3A_61 : i32
        "tpu.region"() ({
          %run_scoped3A = tpu.sem_alloc : memref<!tpu.dma_semaphore, #tpu.memory_space<semaphore_mem>>
          %dma_start3A_68 = tpu.memref_slice %arg4[%add3A_62] : memref<320000xi32, #tpu.memory_space<hbm>> -> memref<128xi32, #tpu.memory_space<hbm>>
          %dma_start3A_69 = tpu.memref_slice %arg4[%add3A_62] : memref<320000xi32, #tpu.memory_space<hbm>> -> memref<128xi32, #tpu.memory_space<hbm>>
          tpu.enqueue_dma source(%dma_start3A_69 : memref<128xi32, #tpu.memory_space<hbm>>) target(%arg8 : memref<128xi32, #tpu.memory_space<vmem>>) target_semaphore(%run_scoped3A : memref<!tpu.dma_semaphore, #tpu.memory_space<semaphore_mem>>)
          %dma_wait3A_70 = tpu.memref_slice %arg4[%add3A_62] : memref<320000xi32, #tpu.memory_space<hbm>> -> memref<128xi32, #tpu.memory_space<hbm>>
          %dma_wait3A_71 = tpu.memref_slice %arg4[%add3A_62] : memref<320000xi32, #tpu.memory_space<hbm>> -> memref<128xi32, #tpu.memory_space<hbm>>
          tpu.wait_dma2 semaphore(%run_scoped3A : memref<!tpu.dma_semaphore, #tpu.memory_space<semaphore_mem>>) src(%dma_wait3A_71 : memref<128xi32, #tpu.memory_space<hbm>>) dst(%arg8 : memref<128xi32, #tpu.memory_space<vmem>>)
          tpu.yield
        }) : () -> ()
        "tpu.region"() ({
          %run_scoped3A = tpu.sem_alloc : memref<!tpu.dma_semaphore, #tpu.memory_space<semaphore_mem>>
          %dma_start3A_68 = tpu.memref_slice %arg5[%add3A_62] : memref<320000xi32, #tpu.memory_space<hbm>> -> memref<128xi32, #tpu.memory_space<hbm>>
          %dma_start3A_69 = tpu.memref_slice %arg5[%add3A_62] : memref<320000xi32, #tpu.memory_space<hbm>> -> memref<128xi32, #tpu.memory_space<hbm>>
          tpu.enqueue_dma source(%dma_start3A_69 : memref<128xi32, #tpu.memory_space<hbm>>) target(%arg9 : memref<128xi32, #tpu.memory_space<vmem>>) target_semaphore(%run_scoped3A : memref<!tpu.dma_semaphore, #tpu.memory_space<semaphore_mem>>)
          %dma_wait3A_70 = tpu.memref_slice %arg5[%add3A_62] : memref<320000xi32, #tpu.memory_space<hbm>> -> memref<128xi32, #tpu.memory_space<hbm>>
          %dma_wait3A_71 = tpu.memref_slice %arg5[%add3A_62] : memref<320000xi32, #tpu.memory_space<hbm>> -> memref<128xi32, #tpu.memory_space<hbm>>
          tpu.wait_dma2 semaphore(%run_scoped3A : memref<!tpu.dma_semaphore, #tpu.memory_space<semaphore_mem>>) src(%dma_wait3A_71 : memref<128xi32, #tpu.memory_space<hbm>>) dst(%arg9 : memref<128xi32, #tpu.memory_space<vmem>>)
          tpu.yield
        }) : () -> ()
        %dma_start3A_63 = arith.constant 0 : i32
        %dma_start3A_64 = arith.constant 0 : i32
        %dma_start3A_65 = tpu.memref_slice %arg2[%dma_start3A_63, %dma_start3A_64] : memref<10000x128xf32, #tpu.memory_space<hbm>> -> memref<10000x128xf32, #tpu.memory_space<hbm>>
        tpu.enqueue_indirect_dma source(%dma_start3A_65 : memref<10000x128xf32, #tpu.memory_space<hbm>>) target(%arg10 : memref<128x128xf32, #tpu.memory_space<vmem>>) offsets(%arg8 : memref<128xi32, #tpu.memory_space<vmem>>) semaphore(%arg20 : memref<!tpu.dma_semaphore, #tpu.memory_space<semaphore_mem>>)
        %dma_start3A_66 = arith.constant 0 : i32
        %dma_start3A_67 = tpu.memref_slice %arg3[%dma_start3A_66] : memref<10000xf32, #tpu.memory_space<hbm>> -> memref<10000xf32, #tpu.memory_space<hbm>>
        tpu.enqueue_indirect_dma source(%dma_start3A_67 : memref<10000xf32, #tpu.memory_space<hbm>>) target(%arg11 : memref<128xf32, #tpu.memory_space<vmem>>) offsets(%arg9 : memref<128xi32, #tpu.memory_space<vmem>>) semaphore(%arg20 : memref<!tpu.dma_semaphore, #tpu.memory_space<semaphore_mem>>)
      } else {
      }
      %add3A_48 = arith.constant 1 : i32
      %add3A_49 = arith.addi %mul3A_27, %add3A_48 : i32
      %mul3A_50 = arith.constant 128 : i32
      %mul3A_51 = arith.muli %add3A_49, %mul3A_50 : i32
      %add3A_52 = arith.addi %mul3A_2, %mul3A_51 : i32
      %dma_wait3A_53 = arith.constant 0 : i32
      %dma_wait3A_54 = arith.constant 0 : i32
      %dma_wait3A_55 = tpu.memref_slice %arg2[%dma_wait3A_53, %dma_wait3A_54] : memref<10000x128xf32, #tpu.memory_space<hbm>> -> memref<10000x128xf32, #tpu.memory_space<hbm>>
      tpu.wait_indirect_dma semaphore(%arg21 : memref<!tpu.dma_semaphore, #tpu.memory_space<semaphore_mem>>) src(%dma_wait3A_55 : memref<10000x128xf32, #tpu.memory_space<hbm>>) dst(%arg14 : memref<128x128xf32, #tpu.memory_space<vmem>>)
      %dma_wait3A_56 = arith.constant 0 : i32
      %dma_wait3A_57 = tpu.memref_slice %arg3[%dma_wait3A_56] : memref<10000xf32, #tpu.memory_space<hbm>> -> memref<10000xf32, #tpu.memory_space<hbm>>
      tpu.wait_indirect_dma semaphore(%arg21 : memref<!tpu.dma_semaphore, #tpu.memory_space<semaphore_mem>>) src(%dma_wait3A_57 : memref<10000xf32, #tpu.memory_space<hbm>>) dst(%arg15 : memref<128xf32, #tpu.memory_space<vmem>>)
      "tpu.region"() ({
        %run_scoped3A = tpu.sem_alloc : memref<!tpu.dma_semaphore, #tpu.memory_space<semaphore_mem>>
        %dma_start3A_58 = arith.constant 0 : i32
        %dma_start3A_59 = tpu.memref_slice %arg6[%add3A_52, %dma_start3A_58] : memref<320000x128xf32, #tpu.memory_space<hbm>> -> memref<128x128xf32, #tpu.memory_space<hbm>>
        %dma_start3A_60 = arith.constant 0 : i32
        %dma_start3A_61 = tpu.memref_slice %arg6[%add3A_52, %dma_start3A_60] : memref<320000x128xf32, #tpu.memory_space<hbm>> -> memref<128x128xf32, #tpu.memory_space<hbm>>
        tpu.enqueue_dma source(%arg14 : memref<128x128xf32, #tpu.memory_space<vmem>>) target(%dma_start3A_61 : memref<128x128xf32, #tpu.memory_space<hbm>>) target_semaphore(%run_scoped3A : memref<!tpu.dma_semaphore, #tpu.memory_space<semaphore_mem>>)
        %dma_wait3A_62 = arith.constant 0 : i32
        %dma_wait3A_63 = tpu.memref_slice %arg6[%add3A_52, %dma_wait3A_62] : memref<320000x128xf32, #tpu.memory_space<hbm>> -> memref<128x128xf32, #tpu.memory_space<hbm>>
        %dma_wait3A_64 = arith.constant 0 : i32
        %dma_wait3A_65 = tpu.memref_slice %arg6[%add3A_52, %dma_wait3A_64] : memref<320000x128xf32, #tpu.memory_space<hbm>> -> memref<128x128xf32, #tpu.memory_space<hbm>>
        tpu.wait_dma2 semaphore(%run_scoped3A : memref<!tpu.dma_semaphore, #tpu.memory_space<semaphore_mem>>) src(%arg14 : memref<128x128xf32, #tpu.memory_space<vmem>>) dst(%dma_wait3A_65 : memref<128x128xf32, #tpu.memory_space<hbm>>)
        tpu.yield
      }) : () -> ()
      "tpu.region"() ({
        %run_scoped3A = tpu.sem_alloc : memref<!tpu.dma_semaphore, #tpu.memory_space<semaphore_mem>>
        %dma_start3A_58 = tpu.memref_slice %arg7[%add3A_52] : memref<320000xf32, #tpu.memory_space<hbm>> -> memref<128xf32, #tpu.memory_space<hbm>>
        %dma_start3A_59 = tpu.memref_slice %arg7[%add3A_52] : memref<320000xf32, #tpu.memory_space<hbm>> -> memref<128xf32, #tpu.memory_space<hbm>>
        tpu.enqueue_dma source(%arg15 : memref<128xf32, #tpu.memory_space<vmem>>) target(%dma_start3A_59 : memref<128xf32, #tpu.memory_space<hbm>>) target_semaphore(%run_scoped3A : memref<!tpu.dma_semaphore, #tpu.memory_space<semaphore_mem>>)
        %dma_wait3A_60 = tpu.memref_slice %arg7[%add3A_52] : memref<320000xf32, #tpu.memory_space<hbm>> -> memref<128xf32, #tpu.memory_space<hbm>>
        %dma_wait3A_61 = tpu.memref_slice %arg7[%add3A_52] : memref<320000xf32, #tpu.memory_space<hbm>> -> memref<128xf32, #tpu.memory_space<hbm>>
        tpu.wait_dma2 semaphore(%run_scoped3A : memref<!tpu.dma_semaphore, #tpu.memory_space<semaphore_mem>>) src(%arg15 : memref<128xf32, #tpu.memory_space<vmem>>) dst(%dma_wait3A_61 : memref<128xf32, #tpu.memory_space<hbm>>)
        tpu.yield
      }) : () -> ()
    }
    %scan3A_13 = arith.constant 39 : i32
    %add3A_14 = arith.constant 9984 : i32
    %add3A_15 = arith.addi %mul3A_2, %add3A_14 : i32
    "tpu.region"() ({
      %run_scoped3A = tpu.sem_alloc : memref<!tpu.dma_semaphore, #tpu.memory_space<semaphore_mem>>
      %dma_start3A_25 = tpu.memref_slice %arg4[%add3A_15] : memref<320000xi32, #tpu.memory_space<hbm>> -> memref<16xi32, #tpu.memory_space<hbm>>
      %dma_start3A_26 = tpu.memref_slice %arg4[%add3A_15] : memref<320000xi32, #tpu.memory_space<hbm>> -> memref<16xi32, #tpu.memory_space<hbm>>
      tpu.enqueue_dma source(%dma_start3A_26 : memref<16xi32, #tpu.memory_space<hbm>>) target(%arg16 : memref<16xi32, #tpu.memory_space<vmem>>) target_semaphore(%run_scoped3A : memref<!tpu.dma_semaphore, #tpu.memory_space<semaphore_mem>>)
      %dma_wait3A_27 = tpu.memref_slice %arg4[%add3A_15] : memref<320000xi32, #tpu.memory_space<hbm>> -> memref<16xi32, #tpu.memory_space<hbm>>
      %dma_wait3A_28 = tpu.memref_slice %arg4[%add3A_15] : memref<320000xi32, #tpu.memory_space<hbm>> -> memref<16xi32, #tpu.memory_space<hbm>>
      tpu.wait_dma2 semaphore(%run_scoped3A : memref<!tpu.dma_semaphore, #tpu.memory_space<semaphore_mem>>) src(%dma_wait3A_28 : memref<16xi32, #tpu.memory_space<hbm>>) dst(%arg16 : memref<16xi32, #tpu.memory_space<vmem>>)
      tpu.yield
    }) : () -> ()
    "tpu.region"() ({
      %run_scoped3A = tpu.sem_alloc : memref<!tpu.dma_semaphore, #tpu.memory_space<semaphore_mem>>
      %dma_start3A_25 = tpu.memref_slice %arg5[%add3A_15] : memref<320000xi32, #tpu.memory_space<hbm>> -> memref<16xi32, #tpu.memory_space<hbm>>
      %dma_start3A_26 = tpu.memref_slice %arg5[%add3A_15] : memref<320000xi32, #tpu.memory_space<hbm>> -> memref<16xi32, #tpu.memory_space<hbm>>
      tpu.enqueue_dma source(%dma_start3A_26 : memref<16xi32, #tpu.memory_space<hbm>>) target(%arg17 : memref<16xi32, #tpu.memory_space<vmem>>) target_semaphore(%run_scoped3A : memref<!tpu.dma_semaphore, #tpu.memory_space<semaphore_mem>>)
      %dma_wait3A_27 = tpu.memref_slice %arg5[%add3A_15] : memref<320000xi32, #tpu.memory_space<hbm>> -> memref<16xi32, #tpu.memory_space<hbm>>
      %dma_wait3A_28 = tpu.memref_slice %arg5[%add3A_15] : memref<320000xi32, #tpu.memory_space<hbm>> -> memref<16xi32, #tpu.memory_space<hbm>>
      tpu.wait_dma2 semaphore(%run_scoped3A : memref<!tpu.dma_semaphore, #tpu.memory_space<semaphore_mem>>) src(%dma_wait3A_28 : memref<16xi32, #tpu.memory_space<hbm>>) dst(%arg17 : memref<16xi32, #tpu.memory_space<vmem>>)
      tpu.yield
    }) : () -> ()
    %dma_start3A_16 = arith.constant 0 : i32
    %dma_start3A_17 = arith.constant 0 : i32
    %dma_start3A_18 = tpu.memref_slice %arg2[%dma_start3A_16, %dma_start3A_17] : memref<10000x128xf32, #tpu.memory_space<hbm>> -> memref<10000x128xf32, #tpu.memory_space<hbm>>
    tpu.enqueue_indirect_dma source(%dma_start3A_18 : memref<10000x128xf32, #tpu.memory_space<hbm>>) target(%arg18 : memref<16x128xf32, #tpu.memory_space<vmem>>) offsets(%arg16 : memref<16xi32, #tpu.memory_space<vmem>>) semaphore(%arg22 : memref<!tpu.dma_semaphore, #tpu.memory_space<semaphore_mem>>)
    %dma_wait3A = arith.constant 0 : i32
    %dma_wait3A_19 = arith.constant 0 : i32
    %dma_wait3A_20 = tpu.memref_slice %arg2[%dma_wait3A, %dma_wait3A_19] : memref<10000x128xf32, #tpu.memory_space<hbm>> -> memref<10000x128xf32, #tpu.memory_space<hbm>>
    tpu.wait_indirect_dma semaphore(%arg22 : memref<!tpu.dma_semaphore, #tpu.memory_space<semaphore_mem>>) src(%dma_wait3A_20 : memref<10000x128xf32, #tpu.memory_space<hbm>>) dst(%arg18 : memref<16x128xf32, #tpu.memory_space<vmem>>)
    "tpu.region"() ({
      %run_scoped3A = tpu.sem_alloc : memref<!tpu.dma_semaphore, #tpu.memory_space<semaphore_mem>>
      %dma_start3A_25 = arith.constant 0 : i32
      %dma_start3A_26 = tpu.memref_slice %arg6[%add3A_15, %dma_start3A_25] : memref<320000x128xf32, #tpu.memory_space<hbm>> -> memref<16x128xf32, #tpu.memory_space<hbm>>
      %dma_start3A_27 = arith.constant 0 : i32
      %dma_start3A_28 = tpu.memref_slice %arg6[%add3A_15, %dma_start3A_27] : memref<320000x128xf32, #tpu.memory_space<hbm>> -> memref<16x128xf32, #tpu.memory_space<hbm>>
      tpu.enqueue_dma source(%arg18 : memref<16x128xf32, #tpu.memory_space<vmem>>) target(%dma_start3A_28 : memref<16x128xf32, #tpu.memory_space<hbm>>) target_semaphore(%run_scoped3A : memref<!tpu.dma_semaphore, #tpu.memory_space<semaphore_mem>>)
      %dma_wait3A_29 = arith.constant 0 : i32
      %dma_wait3A_30 = tpu.memref_slice %arg6[%add3A_15, %dma_wait3A_29] : memref<320000x128xf32, #tpu.memory_space<hbm>> -> memref<16x128xf32, #tpu.memory_space<hbm>>
      %dma_wait3A_31 = arith.constant 0 : i32
      %dma_wait3A_32 = tpu.memref_slice %arg6[%add3A_15, %dma_wait3A_31] : memref<320000x128xf32, #tpu.memory_space<hbm>> -> memref<16x128xf32, #tpu.memory_space<hbm>>
      tpu.wait_dma2 semaphore(%run_scoped3A : memref<!tpu.dma_semaphore, #tpu.memory_space<semaphore_mem>>) src(%arg18 : memref<16x128xf32, #tpu.memory_space<vmem>>) dst(%dma_wait3A_32 : memref<16x128xf32, #tpu.memory_space<hbm>>)
      tpu.yield
    }) : () -> ()
    %dma_start3A_21 = arith.constant 0 : i32
    %dma_start3A_22 = tpu.memref_slice %arg3[%dma_start3A_21] : memref<10000xf32, #tpu.memory_space<hbm>> -> memref<10000xf32, #tpu.memory_space<hbm>>
    tpu.enqueue_indirect_dma source(%dma_start3A_22 : memref<10000xf32, #tpu.memory_space<hbm>>) target(%arg19 : memref<16xf32, #tpu.memory_space<vmem>>) offsets(%arg17 : memref<16xi32, #tpu.memory_space<vmem>>) semaphore(%arg22 : memref<!tpu.dma_semaphore, #tpu.memory_space<semaphore_mem>>)
    %dma_wait3A_23 = arith.constant 0 : i32
    %dma_wait3A_24 = tpu.memref_slice %arg3[%dma_wait3A_23] : memref<10000xf32, #tpu.memory_space<hbm>> -> memref<10000xf32, #tpu.memory_space<hbm>>
    tpu.wait_indirect_dma semaphore(%arg22 : memref<!tpu.dma_semaphore, #tpu.memory_space<semaphore_mem>>) src(%dma_wait3A_24 : memref<10000xf32, #tpu.memory_space<hbm>>) dst(%arg19 : memref<16xf32, #tpu.memory_space<vmem>>)
    "tpu.region"() ({
      %run_scoped3A = tpu.sem_alloc : memref<!tpu.dma_semaphore, #tpu.memory_space<semaphore_mem>>
      %dma_start3A_25 = tpu.memref_slice %arg7[%add3A_15] : memref<320000xf32, #tpu.memory_space<hbm>> -> memref<16xf32, #tpu.memory_space<hbm>>
      %dma_start3A_26 = tpu.memref_slice %arg7[%add3A_15] : memref<320000xf32, #tpu.memory_space<hbm>> -> memref<16xf32, #tpu.memory_space<hbm>>
      tpu.enqueue_dma source(%arg19 : memref<16xf32, #tpu.memory_space<vmem>>) target(%dma_start3A_26 : memref<16xf32, #tpu.memory_space<hbm>>) target_semaphore(%run_scoped3A : memref<!tpu.dma_semaphore, #tpu.memory_space<semaphore_mem>>)
      %dma_wait3A_27 = tpu.memref_slice %arg7[%add3A_15] : memref<320000xf32, #tpu.memory_space<hbm>> -> memref<16xf32, #tpu.memory_space<hbm>>
      %dma_wait3A_28 = tpu.memref_slice %arg7[%add3A_15] : memref<320000xf32, #tpu.memory_space<hbm>> -> memref<16xf32, #tpu.memory_space<hbm>>
      tpu.wait_dma2 semaphore(%run_scoped3A : memref<!tpu.dma_semaphore, #tpu.memory_space<semaphore_mem>>) src(%arg19 : memref<16xf32, #tpu.memory_space<vmem>>) dst(%dma_wait3A_28 : memref<16xf32, #tpu.memory_space<hbm>>)
      tpu.yield
    }) : () -> ()
    return
  }
}

#map = affine_map<(d0, d1) -> (0, 0)>
#map1 = affine_map<(d0, d1) -> (0)>
module attributes {stable_mosaic.version = 14 : i64} {
  func.func @_sc_scatter_body(%arg0: i32, %arg1: i32, %arg2: memref<320000x128xf32, #tpu.memory_space<hbm>>, %arg3: memref<320000xf32, #tpu.memory_space<hbm>>, %arg4: memref<320000xi32, #tpu.memory_space<hbm>>, %arg5: memref<10000x128xf32, #tpu.memory_space<hbm>>, %arg6: memref<10000x128xf32, #tpu.memory_space<hbm>>, %arg7: memref<10000xf32, #tpu.memory_space<hbm>>, %arg8: memref<10000xf32, #tpu.memory_space<hbm>>, %arg9: memref<128x128xf32, #tpu.memory_space<vmem>>, %arg10: memref<128xf32, #tpu.memory_space<vmem>>, %arg11: memref<128xi32, #tpu.memory_space<vmem>>, %arg12: memref<16x128xf32, #tpu.memory_space<vmem>>, %arg13: memref<16xf32, #tpu.memory_space<vmem>>, %arg14: memref<16xi32, #tpu.memory_space<vmem>>, %arg15: memref<16x128xf32, #tpu.memory_space<vmem>>, %arg16: memref<10000x128xf32, #tpu.memory_space<vmem_shared>>, %arg17: memref<10000xf32, #tpu.memory_space<vmem_shared>>) attributes {dimension_semantics = [#tpu.dimension_semantics<core_parallel>, #tpu.dimension_semantics<subcore_parallel>], iteration_bounds = array<i64: 2, 16>, scalar_prefetch = 0 : i64, scratch_operands = 9 : i64, tpu.core_type = #tpu.core_type<sc_vector_subcore>, window_params = [{transform_indices = #map}, {transform_indices = #map1}, {transform_indices = #map1}, {transform_indices = #map}, {transform_indices = #map}, {transform_indices = #map1}, {transform_indices = #map1}]} {
    %mul3A = arith.constant 2 : i32
    %mul3A_0 = arith.muli %arg1, %mul3A : i32
    %add3A = arith.addi %mul3A_0, %arg0 : i32
    %mul3A_1 = arith.constant 10000 : i32
    %mul3A_2 = arith.muli %add3A, %mul3A_1 : i32
    %broadcast_in_dim3A = arith.constant 0.000000e+00 : f32
    %broadcast_in_dim3A_3 = vector.broadcast %broadcast_in_dim3A : f32 to vector<16xf32>
    %scan3A = arith.constant 0 : i32
    %scan3A_4 = arith.constant 0 : i32
    %scan3A_5 = arith.constant 16 : i32
    %scan3A_6 = arith.addi %scan3A_4, %scan3A_5 : i32
    %scan3A_7 = arith.constant 1 : i32
    scf.for %scan3A_36 = %scan3A_4 to %scan3A_6 step %scan3A_7  : i32 {
      %swap3A = arith.index_cast %scan3A_36 : i32 to index
      %swap3A_37 = arith.constant 0 : index
      %swap3A_38 = tpu.vector_load %arg15[%swap3A, %swap3A_37] {strides = array<i32>} : memref<16x128xf32, #tpu.memory_space<vmem>>, vector<1x16xf32>,
      %swap3A_39 = vector.shape_cast %swap3A_38 : vector<1x16xf32> to vector<16xf32>
      %swap3A_40 = vector.shape_cast %broadcast_in_dim3A_3 : vector<16xf32> to vector<1x16xf32>
      tpu.vector_store %arg15[%swap3A, %swap3A_37], %swap3A_40 {strides = array<i32>} : memref<16x128xf32, #tpu.memory_space<vmem>>, vector<1x16xf32>,
      %swap3A_41 = arith.index_cast %scan3A_36 : i32 to index
      %swap3A_42 = arith.constant 16 : index
      %swap3A_43 = tpu.vector_load %arg15[%swap3A_41, %swap3A_42] {strides = array<i32>} : memref<16x128xf32, #tpu.memory_space<vmem>>, vector<1x16xf32>,
      %swap3A_44 = vector.shape_cast %swap3A_43 : vector<1x16xf32> to vector<16xf32>
      %swap3A_45 = vector.shape_cast %broadcast_in_dim3A_3 : vector<16xf32> to vector<1x16xf32>
      tpu.vector_store %arg15[%swap3A_41, %swap3A_42], %swap3A_45 {strides = array<i32>} : memref<16x128xf32, #tpu.memory_space<vmem>>, vector<1x16xf32>,
      %swap3A_46 = arith.index_cast %scan3A_36 : i32 to index
      %swap3A_47 = arith.constant 32 : index
      %swap3A_48 = tpu.vector_load %arg15[%swap3A_46, %swap3A_47] {strides = array<i32>} : memref<16x128xf32, #tpu.memory_space<vmem>>, vector<1x16xf32>,
      %swap3A_49 = vector.shape_cast %swap3A_48 : vector<1x16xf32> to vector<16xf32>
      %swap3A_50 = vector.shape_cast %broadcast_in_dim3A_3 : vector<16xf32> to vector<1x16xf32>
      tpu.vector_store %arg15[%swap3A_46, %swap3A_47], %swap3A_50 {strides = array<i32>} : memref<16x128xf32, #tpu.memory_space<vmem>>, vector<1x16xf32>,
      %swap3A_51 = arith.index_cast %scan3A_36 : i32 to index
      %swap3A_52 = arith.constant 48 : index
      %swap3A_53 = tpu.vector_load %arg15[%swap3A_51, %swap3A_52] {strides = array<i32>} : memref<16x128xf32, #tpu.memory_space<vmem>>, vector<1x16xf32>,
      %swap3A_54 = vector.shape_cast %swap3A_53 : vector<1x16xf32> to vector<16xf32>
      %swap3A_55 = vector.shape_cast %broadcast_in_dim3A_3 : vector<16xf32> to vector<1x16xf32>
      tpu.vector_store %arg15[%swap3A_51, %swap3A_52], %swap3A_55 {strides = array<i32>} : memref<16x128xf32, #tpu.memory_space<vmem>>, vector<1x16xf32>,
      %swap3A_56 = arith.index_cast %scan3A_36 : i32 to index
      %swap3A_57 = arith.constant 64 : index
      %swap3A_58 = tpu.vector_load %arg15[%swap3A_56, %swap3A_57] {strides = array<i32>} : memref<16x128xf32, #tpu.memory_space<vmem>>, vector<1x16xf32>,
      %swap3A_59 = vector.shape_cast %swap3A_58 : vector<1x16xf32> to vector<16xf32>
      %swap3A_60 = vector.shape_cast %broadcast_in_dim3A_3 : vector<16xf32> to vector<1x16xf32>
      tpu.vector_store %arg15[%swap3A_56, %swap3A_57], %swap3A_60 {strides = array<i32>} : memref<16x128xf32, #tpu.memory_space<vmem>>, vector<1x16xf32>,
      %swap3A_61 = arith.index_cast %scan3A_36 : i32 to index
      %swap3A_62 = arith.constant 80 : index
      %swap3A_63 = tpu.vector_load %arg15[%swap3A_61, %swap3A_62] {strides = array<i32>} : memref<16x128xf32, #tpu.memory_space<vmem>>, vector<1x16xf32>,
      %swap3A_64 = vector.shape_cast %swap3A_63 : vector<1x16xf32> to vector<16xf32>
      %swap3A_65 = vector.shape_cast %broadcast_in_dim3A_3 : vector<16xf32> to vector<1x16xf32>
      tpu.vector_store %arg15[%swap3A_61, %swap3A_62], %swap3A_65 {strides = array<i32>} : memref<16x128xf32, #tpu.memory_space<vmem>>, vector<1x16xf32>,
      %swap3A_66 = arith.index_cast %scan3A_36 : i32 to index
      %swap3A_67 = arith.constant 96 : index
      %swap3A_68 = tpu.vector_load %arg15[%swap3A_66, %swap3A_67] {strides = array<i32>} : memref<16x128xf32, #tpu.memory_space<vmem>>, vector<1x16xf32>,
      %swap3A_69 = vector.shape_cast %swap3A_68 : vector<1x16xf32> to vector<16xf32>
      %swap3A_70 = vector.shape_cast %broadcast_in_dim3A_3 : vector<16xf32> to vector<1x16xf32>
      tpu.vector_store %arg15[%swap3A_66, %swap3A_67], %swap3A_70 {strides = array<i32>} : memref<16x128xf32, #tpu.memory_space<vmem>>, vector<1x16xf32>,
      %swap3A_71 = arith.index_cast %scan3A_36 : i32 to index
      %swap3A_72 = arith.constant 112 : index
      %swap3A_73 = tpu.vector_load %arg15[%swap3A_71, %swap3A_72] {strides = array<i32>} : memref<16x128xf32, #tpu.memory_space<vmem>>, vector<1x16xf32>,
      %swap3A_74 = vector.shape_cast %swap3A_73 : vector<1x16xf32> to vector<16xf32>
      %swap3A_75 = vector.shape_cast %broadcast_in_dim3A_3 : vector<16xf32> to vector<1x16xf32>
      tpu.vector_store %arg15[%swap3A_71, %swap3A_72], %swap3A_75 {strides = array<i32>} : memref<16x128xf32, #tpu.memory_space<vmem>>, vector<1x16xf32>,
    }
    %scan3A_8 = arith.constant 16 : i32
    %scan3A_9 = arith.constant 0 : i32
    %scan3A_10 = arith.constant 0 : i32
    %scan3A_11 = arith.constant 39 : i32
    %scan3A_12 = arith.addi %scan3A_10, %scan3A_11 : i32
    %scan3A_13 = arith.constant 1 : i32
    scf.for %scan3A_36 = %scan3A_10 to %scan3A_12 step %scan3A_13  : i32 {
      %mul3A_37 = arith.constant 624 : i32
      %mul3A_38 = arith.muli %arg1, %mul3A_37 : i32
      %mul3A_39 = arith.constant 16 : i32
      %mul3A_40 = arith.muli %scan3A_36, %mul3A_39 : i32
      %add3A_41 = arith.addi %mul3A_38, %mul3A_40 : i32
      "tpu.region"() ({
        %run_scoped3A_47 = tpu.sem_alloc : memref<!tpu.dma_semaphore, #tpu.memory_space<semaphore_mem>>
        %dma_start3A = arith.constant 0 : i32
        %dma_start3A_48 = tpu.memref_slice %arg16[%add3A_41, %dma_start3A] : memref<10000x128xf32, #tpu.memory_space<vmem_shared>> -> memref<16x128xf32, #tpu.memory_space<vmem_shared>>
        %dma_start3A_49 = arith.constant 0 : i32
        %dma_start3A_50 = tpu.memref_slice %arg16[%add3A_41, %dma_start3A_49] : memref<10000x128xf32, #tpu.memory_space<vmem_shared>> -> memref<16x128xf32, #tpu.memory_space<vmem_shared>>
        tpu.enqueue_dma source(%arg15 : memref<16x128xf32, #tpu.memory_space<vmem>>) target(%dma_start3A_50 : memref<16x128xf32, #tpu.memory_space<vmem_shared>>) target_semaphore(%run_scoped3A_47 : memref<!tpu.dma_semaphore, #tpu.memory_space<semaphore_mem>>)
        %dma_wait3A = arith.constant 0 : i32
        %dma_wait3A_51 = tpu.memref_slice %arg16[%add3A_41, %dma_wait3A] : memref<10000x128xf32, #tpu.memory_space<vmem_shared>> -> memref<16x128xf32, #tpu.memory_space<vmem_shared>>
        %dma_wait3A_52 = arith.constant 0 : i32
        %dma_wait3A_53 = tpu.memref_slice %arg16[%add3A_41, %dma_wait3A_52] : memref<10000x128xf32, #tpu.memory_space<vmem_shared>> -> memref<16x128xf32, #tpu.memory_space<vmem_shared>>
        tpu.wait_dma2 semaphore(%run_scoped3A_47 : memref<!tpu.dma_semaphore, #tpu.memory_space<semaphore_mem>>) src(%arg15 : memref<16x128xf32, #tpu.memory_space<vmem>>) dst(%dma_wait3A_53 : memref<16x128xf32, #tpu.memory_space<vmem_shared>>)
        tpu.yield
      }) : () -> ()
      %mul3A_42 = arith.constant 624 : i32
      %mul3A_43 = arith.muli %arg1, %mul3A_42 : i32
      %mul3A_44 = arith.constant 16 : i32
      %mul3A_45 = arith.muli %scan3A_36, %mul3A_44 : i32
      %add3A_46 = arith.addi %mul3A_43, %mul3A_45 : i32
      %run_scoped3A = arith.constant 0 : i32
      "tpu.region"() ({
        %run_scoped3A_47 = tpu.sem_alloc : memref<!tpu.dma_semaphore, #tpu.memory_space<semaphore_mem>>
        %dma_start3A = arith.constant 0 : i32
        %dma_start3A_48 = tpu.memref_slice %arg15[%run_scoped3A, %dma_start3A] : memref<16x128xf32, #tpu.memory_space<vmem>> -> memref<1x16xf32, #tpu.memory_space<vmem>>
        %dma_start3A_49 = tpu.memref_squeeze %dma_start3A_48 : memref<1x16xf32, #tpu.memory_space<vmem>> -> memref<16xf32, #tpu.memory_space<vmem>>
        %dma_start3A_50 = tpu.memref_slice %arg17[%add3A_46] : memref<10000xf32, #tpu.memory_space<vmem_shared>> -> memref<16xf32, #tpu.memory_space<vmem_shared>>
        %dma_start3A_51 = tpu.memref_slice %arg17[%add3A_46] : memref<10000xf32, #tpu.memory_space<vmem_shared>> -> memref<16xf32, #tpu.memory_space<vmem_shared>>
        %dma_start3A_52 = arith.constant 0 : i32
        %dma_start3A_53 = tpu.memref_slice %arg15[%run_scoped3A, %dma_start3A_52] : memref<16x128xf32, #tpu.memory_space<vmem>> -> memref<1x16xf32, #tpu.memory_space<vmem>>
        %dma_start3A_54 = tpu.memref_squeeze %dma_start3A_53 : memref<1x16xf32, #tpu.memory_space<vmem>> -> memref<16xf32, #tpu.memory_space<vmem>>
        tpu.enqueue_dma source(%dma_start3A_54 : memref<16xf32, #tpu.memory_space<vmem>>) target(%dma_start3A_51 : memref<16xf32, #tpu.memory_space<vmem_shared>>) target_semaphore(%run_scoped3A_47 : memref<!tpu.dma_semaphore, #tpu.memory_space<semaphore_mem>>)
        %dma_wait3A = arith.constant 0 : i32
        %dma_wait3A_55 = tpu.memref_slice %arg15[%run_scoped3A, %dma_wait3A] : memref<16x128xf32, #tpu.memory_space<vmem>> -> memref<1x16xf32, #tpu.memory_space<vmem>>
        %dma_wait3A_56 = tpu.memref_squeeze %dma_wait3A_55 : memref<1x16xf32, #tpu.memory_space<vmem>> -> memref<16xf32, #tpu.memory_space<vmem>>
        %dma_wait3A_57 = tpu.memref_slice %arg17[%add3A_46] : memref<10000xf32, #tpu.memory_space<vmem_shared>> -> memref<16xf32, #tpu.memory_space<vmem_shared>>
        %dma_wait3A_58 = tpu.memref_slice %arg17[%add3A_46] : memref<10000xf32, #tpu.memory_space<vmem_shared>> -> memref<16xf32, #tpu.memory_space<vmem_shared>>
        %dma_wait3A_59 = arith.constant 0 : i32
        %dma_wait3A_60 = tpu.memref_slice %arg15[%run_scoped3A, %dma_wait3A_59] : memref<16x128xf32, #tpu.memory_space<vmem>> -> memref<1x16xf32, #tpu.memory_space<vmem>>
        %dma_wait3A_61 = tpu.memref_squeeze %dma_wait3A_60 : memref<1x16xf32, #tpu.memory_space<vmem>> -> memref<16xf32, #tpu.memory_space<vmem>>
        tpu.wait_dma2 semaphore(%run_scoped3A_47 : memref<!tpu.dma_semaphore, #tpu.memory_space<semaphore_mem>>) src(%dma_wait3A_61 : memref<16xf32, #tpu.memory_space<vmem>>) dst(%dma_wait3A_58 : memref<16xf32, #tpu.memory_space<vmem_shared>>)
        tpu.yield
      }) : () -> ()
    }
    %scan3A_14 = arith.constant 39 : i32
    %eq3A = arith.constant 15 : i32
    %eq3A_15 = arith.cmpi eq, %arg1, %eq3A : i32
    %convert_element_type3A = arith.extui %eq3A_15 : i1 to i32
    %cond3A = arith.constant 0 : i32
    %cond3A_16 = arith.cmpi ne, %convert_element_type3A, %cond3A : i32
    scf.if %cond3A_16 {
      "tpu.region"() ({
        %run_scoped3A_36 = tpu.sem_alloc : memref<!tpu.dma_semaphore, #tpu.memory_space<semaphore_mem>>
        %dma_start3A = arith.constant 9984 : i32
        %dma_start3A_37 = arith.constant 0 : i32
        %dma_start3A_38 = tpu.memref_slice %arg16[%dma_start3A, %dma_start3A_37] : memref<10000x128xf32, #tpu.memory_space<vmem_shared>> -> memref<16x128xf32, #tpu.memory_space<vmem_shared>>
        %dma_start3A_39 = arith.constant 9984 : i32
        %dma_start3A_40 = arith.constant 0 : i32
        %dma_start3A_41 = tpu.memref_slice %arg16[%dma_start3A_39, %dma_start3A_40] : memref<10000x128xf32, #tpu.memory_space<vmem_shared>> -> memref<16x128xf32, #tpu.memory_space<vmem_shared>>
        tpu.enqueue_dma source(%arg15 : memref<16x128xf32, #tpu.memory_space<vmem>>) target(%dma_start3A_41 : memref<16x128xf32, #tpu.memory_space<vmem_shared>>) target_semaphore(%run_scoped3A_36 : memref<!tpu.dma_semaphore, #tpu.memory_space<semaphore_mem>>)
        %dma_wait3A = arith.constant 9984 : i32
        %dma_wait3A_42 = arith.constant 0 : i32
        %dma_wait3A_43 = tpu.memref_slice %arg16[%dma_wait3A, %dma_wait3A_42] : memref<10000x128xf32, #tpu.memory_space<vmem_shared>> -> memref<16x128xf32, #tpu.memory_space<vmem_shared>>
        %dma_wait3A_44 = arith.constant 9984 : i32
        %dma_wait3A_45 = arith.constant 0 : i32
        %dma_wait3A_46 = tpu.memref_slice %arg16[%dma_wait3A_44, %dma_wait3A_45] : memref<10000x128xf32, #tpu.memory_space<vmem_shared>> -> memref<16x128xf32, #tpu.memory_space<vmem_shared>>
        tpu.wait_dma2 semaphore(%run_scoped3A_36 : memref<!tpu.dma_semaphore, #tpu.memory_space<semaphore_mem>>) src(%arg15 : memref<16x128xf32, #tpu.memory_space<vmem>>) dst(%dma_wait3A_46 : memref<16x128xf32, #tpu.memory_space<vmem_shared>>)
        tpu.yield
      }) : () -> ()
      %run_scoped3A = arith.constant 0 : i32
      "tpu.region"() ({
        %run_scoped3A_36 = tpu.sem_alloc : memref<!tpu.dma_semaphore, #tpu.memory_space<semaphore_mem>>
        %dma_start3A = arith.constant 0 : i32
        %dma_start3A_37 = tpu.memref_slice %arg15[%run_scoped3A, %dma_start3A] : memref<16x128xf32, #tpu.memory_space<vmem>> -> memref<1x16xf32, #tpu.memory_space<vmem>>
        %dma_start3A_38 = tpu.memref_squeeze %dma_start3A_37 : memref<1x16xf32, #tpu.memory_space<vmem>> -> memref<16xf32, #tpu.memory_space<vmem>>
        %dma_start3A_39 = arith.constant 9984 : i32
        %dma_start3A_40 = tpu.memref_slice %arg17[%dma_start3A_39] : memref<10000xf32, #tpu.memory_space<vmem_shared>> -> memref<16xf32, #tpu.memory_space<vmem_shared>>
        %dma_start3A_41 = arith.constant 9984 : i32
        %dma_start3A_42 = tpu.memref_slice %arg17[%dma_start3A_41] : memref<10000xf32, #tpu.memory_space<vmem_shared>> -> memref<16xf32, #tpu.memory_space<vmem_shared>>
        %dma_start3A_43 = arith.constant 0 : i32
        %dma_start3A_44 = tpu.memref_slice %arg15[%run_scoped3A, %dma_start3A_43] : memref<16x128xf32, #tpu.memory_space<vmem>> -> memref<1x16xf32, #tpu.memory_space<vmem>>
        %dma_start3A_45 = tpu.memref_squeeze %dma_start3A_44 : memref<1x16xf32, #tpu.memory_space<vmem>> -> memref<16xf32, #tpu.memory_space<vmem>>
        tpu.enqueue_dma source(%dma_start3A_45 : memref<16xf32, #tpu.memory_space<vmem>>) target(%dma_start3A_42 : memref<16xf32, #tpu.memory_space<vmem_shared>>) target_semaphore(%run_scoped3A_36 : memref<!tpu.dma_semaphore, #tpu.memory_space<semaphore_mem>>)
        %dma_wait3A = arith.constant 0 : i32
        %dma_wait3A_46 = tpu.memref_slice %arg15[%run_scoped3A, %dma_wait3A] : memref<16x128xf32, #tpu.memory_space<vmem>> -> memref<1x16xf32, #tpu.memory_space<vmem>>
        %dma_wait3A_47 = tpu.memref_squeeze %dma_wait3A_46 : memref<1x16xf32, #tpu.memory_space<vmem>> -> memref<16xf32, #tpu.memory_space<vmem>>
        %dma_wait3A_48 = arith.constant 9984 : i32
        %dma_wait3A_49 = tpu.memref_slice %arg17[%dma_wait3A_48] : memref<10000xf32, #tpu.memory_space<vmem_shared>> -> memref<16xf32, #tpu.memory_space<vmem_shared>>
        %dma_wait3A_50 = arith.constant 9984 : i32
        %dma_wait3A_51 = tpu.memref_slice %arg17[%dma_wait3A_50] : memref<10000xf32, #tpu.memory_space<vmem_shared>> -> memref<16xf32, #tpu.memory_space<vmem_shared>>
        %dma_wait3A_52 = arith.constant 0 : i32
        %dma_wait3A_53 = tpu.memref_slice %arg15[%run_scoped3A, %dma_wait3A_52] : memref<16x128xf32, #tpu.memory_space<vmem>> -> memref<1x16xf32, #tpu.memory_space<vmem>>
        %dma_wait3A_54 = tpu.memref_squeeze %dma_wait3A_53 : memref<1x16xf32, #tpu.memory_space<vmem>> -> memref<16xf32, #tpu.memory_space<vmem>>
        tpu.wait_dma2 semaphore(%run_scoped3A_36 : memref<!tpu.dma_semaphore, #tpu.memory_space<semaphore_mem>>) src(%dma_wait3A_54 : memref<16xf32, #tpu.memory_space<vmem>>) dst(%dma_wait3A_51 : memref<16xf32, #tpu.memory_space<vmem_shared>>)
        tpu.yield
      }) : () -> ()
    } else {
    }
    %barrier3A = arith.constant 0 : index
    tpu.barrier barrier_id(%barrier3A)
    %scan3A_17 = arith.constant 0 : i32
    %scan3A_18 = arith.constant 0 : i32
    %scan3A_19 = arith.constant 78 : i32
    %scan3A_20 = arith.addi %scan3A_18, %scan3A_19 : i32
    %scan3A_21 = arith.constant 1 : i32
    scf.for %scan3A_36 = %scan3A_18 to %scan3A_20 step %scan3A_21  : i32 {
      %mul3A_37 = arith.constant 128 : i32
      %mul3A_38 = arith.muli %scan3A_36, %mul3A_37 : i32
      %add3A_39 = arith.addi %mul3A_2, %mul3A_38 : i32
      "tpu.region"() ({
        %run_scoped3A = tpu.sem_alloc : memref<!tpu.dma_semaphore, #tpu.memory_space<semaphore_mem>>
        %dma_start3A = tpu.memref_slice %arg4[%add3A_39] : memref<320000xi32, #tpu.memory_space<hbm>> -> memref<128xi32, #tpu.memory_space<hbm>>
        %dma_start3A_40 = tpu.memref_slice %arg4[%add3A_39] : memref<320000xi32, #tpu.memory_space<hbm>> -> memref<128xi32, #tpu.memory_space<hbm>>
        tpu.enqueue_dma source(%dma_start3A_40 : memref<128xi32, #tpu.memory_space<hbm>>) target(%arg11 : memref<128xi32, #tpu.memory_space<vmem>>) target_semaphore(%run_scoped3A : memref<!tpu.dma_semaphore, #tpu.memory_space<semaphore_mem>>)
        %dma_wait3A = tpu.memref_slice %arg4[%add3A_39] : memref<320000xi32, #tpu.memory_space<hbm>> -> memref<128xi32, #tpu.memory_space<hbm>>
        %dma_wait3A_41 = tpu.memref_slice %arg4[%add3A_39] : memref<320000xi32, #tpu.memory_space<hbm>> -> memref<128xi32, #tpu.memory_space<hbm>>
        tpu.wait_dma2 semaphore(%run_scoped3A : memref<!tpu.dma_semaphore, #tpu.memory_space<semaphore_mem>>) src(%dma_wait3A_41 : memref<128xi32, #tpu.memory_space<hbm>>) dst(%arg11 : memref<128xi32, #tpu.memory_space<vmem>>)
        tpu.yield
      }) : () -> ()
      "tpu.region"() ({
        %run_scoped3A = tpu.sem_alloc : memref<!tpu.dma_semaphore, #tpu.memory_space<semaphore_mem>>
        %dma_start3A = arith.constant 0 : i32
        %dma_start3A_40 = tpu.memref_slice %arg2[%add3A_39, %dma_start3A] : memref<320000x128xf32, #tpu.memory_space<hbm>> -> memref<128x128xf32, #tpu.memory_space<hbm>>
        %dma_start3A_41 = arith.constant 0 : i32
        %dma_start3A_42 = tpu.memref_slice %arg2[%add3A_39, %dma_start3A_41] : memref<320000x128xf32, #tpu.memory_space<hbm>> -> memref<128x128xf32, #tpu.memory_space<hbm>>
        tpu.enqueue_dma source(%dma_start3A_42 : memref<128x128xf32, #tpu.memory_space<hbm>>) target(%arg9 : memref<128x128xf32, #tpu.memory_space<vmem>>) target_semaphore(%run_scoped3A : memref<!tpu.dma_semaphore, #tpu.memory_space<semaphore_mem>>)
        %dma_wait3A = arith.constant 0 : i32
        %dma_wait3A_43 = tpu.memref_slice %arg2[%add3A_39, %dma_wait3A] : memref<320000x128xf32, #tpu.memory_space<hbm>> -> memref<128x128xf32, #tpu.memory_space<hbm>>
        %dma_wait3A_44 = arith.constant 0 : i32
        %dma_wait3A_45 = tpu.memref_slice %arg2[%add3A_39, %dma_wait3A_44] : memref<320000x128xf32, #tpu.memory_space<hbm>> -> memref<128x128xf32, #tpu.memory_space<hbm>>
        tpu.wait_dma2 semaphore(%run_scoped3A : memref<!tpu.dma_semaphore, #tpu.memory_space<semaphore_mem>>) src(%dma_wait3A_45 : memref<128x128xf32, #tpu.memory_space<hbm>>) dst(%arg9 : memref<128x128xf32, #tpu.memory_space<vmem>>)
        tpu.yield
      }) : () -> ()
      "tpu.region"() ({
        %run_scoped3A = tpu.sem_alloc : memref<!tpu.dma_semaphore, #tpu.memory_space<semaphore_mem>>
        %dma_start3A = arith.constant 0 : i32
        %dma_start3A_40 = arith.constant 0 : i32
        %dma_start3A_41 = tpu.memref_slice %arg16[%dma_start3A, %dma_start3A_40] : memref<10000x128xf32, #tpu.memory_space<vmem_shared>> -> memref<10000x128xf32, #tpu.memory_space<vmem_shared>>
        tpu.enqueue_indirect_dma source(%arg9 : memref<128x128xf32, #tpu.memory_space<vmem>>) target(%dma_start3A_41 : memref<10000x128xf32, #tpu.memory_space<vmem_shared>>) offsets(%arg11 : memref<128xi32, #tpu.memory_space<vmem>>) semaphore(%run_scoped3A : memref<!tpu.dma_semaphore, #tpu.memory_space<semaphore_mem>>) {add = true}
        %dma_wait3A = arith.constant 0 : i32
        %dma_wait3A_42 = arith.constant 0 : i32
        %dma_wait3A_43 = tpu.memref_slice %arg16[%dma_wait3A, %dma_wait3A_42] : memref<10000x128xf32, #tpu.memory_space<vmem_shared>> -> memref<10000x128xf32, #tpu.memory_space<vmem_shared>>
        tpu.wait_indirect_dma semaphore(%run_scoped3A : memref<!tpu.dma_semaphore, #tpu.memory_space<semaphore_mem>>) src(%arg9 : memref<128x128xf32, #tpu.memory_space<vmem>>) dst(%dma_wait3A_43 : memref<10000x128xf32, #tpu.memory_space<vmem_shared>>)
        tpu.yield
      }) : () -> ()
      "tpu.region"() ({
        %run_scoped3A = tpu.sem_alloc : memref<!tpu.dma_semaphore, #tpu.memory_space<semaphore_mem>>
        %dma_start3A = tpu.memref_slice %arg3[%add3A_39] : memref<320000xf32, #tpu.memory_space<hbm>> -> memref<128xf32, #tpu.memory_space<hbm>>
        %dma_start3A_40 = tpu.memref_slice %arg3[%add3A_39] : memref<320000xf32, #tpu.memory_space<hbm>> -> memref<128xf32, #tpu.memory_space<hbm>>
        tpu.enqueue_dma source(%dma_start3A_40 : memref<128xf32, #tpu.memory_space<hbm>>) target(%arg10 : memref<128xf32, #tpu.memory_space<vmem>>) target_semaphore(%run_scoped3A : memref<!tpu.dma_semaphore, #tpu.memory_space<semaphore_mem>>)
        %dma_wait3A = tpu.memref_slice %arg3[%add3A_39] : memref<320000xf32, #tpu.memory_space<hbm>> -> memref<128xf32, #tpu.memory_space<hbm>>
        %dma_wait3A_41 = tpu.memref_slice %arg3[%add3A_39] : memref<320000xf32, #tpu.memory_space<hbm>> -> memref<128xf32, #tpu.memory_space<hbm>>
        tpu.wait_dma2 semaphore(%run_scoped3A : memref<!tpu.dma_semaphore, #tpu.memory_space<semaphore_mem>>) src(%dma_wait3A_41 : memref<128xf32, #tpu.memory_space<hbm>>) dst(%arg10 : memref<128xf32, #tpu.memory_space<vmem>>)
        tpu.yield
      }) : () -> ()
      "tpu.region"() ({
        %run_scoped3A = tpu.sem_alloc : memref<!tpu.dma_semaphore, #tpu.memory_space<semaphore_mem>>
        %dma_start3A = arith.constant 0 : i32
        %dma_start3A_40 = tpu.memref_slice %arg17[%dma_start3A] : memref<10000xf32, #tpu.memory_space<vmem_shared>> -> memref<10000xf32, #tpu.memory_space<vmem_shared>>
        tpu.enqueue_indirect_dma source(%arg10 : memref<128xf32, #tpu.memory_space<vmem>>) target(%dma_start3A_40 : memref<10000xf32, #tpu.memory_space<vmem_shared>>) offsets(%arg11 : memref<128xi32, #tpu.memory_space<vmem>>) semaphore(%run_scoped3A : memref<!tpu.dma_semaphore, #tpu.memory_space<semaphore_mem>>) {add = true}
        %dma_wait3A = arith.constant 0 : i32
        %dma_wait3A_41 = tpu.memref_slice %arg17[%dma_wait3A] : memref<10000xf32, #tpu.memory_space<vmem_shared>> -> memref<10000xf32, #tpu.memory_space<vmem_shared>>
        tpu.wait_indirect_dma semaphore(%run_scoped3A : memref<!tpu.dma_semaphore, #tpu.memory_space<semaphore_mem>>) src(%arg10 : memref<128xf32, #tpu.memory_space<vmem>>) dst(%dma_wait3A_41 : memref<10000xf32, #tpu.memory_space<vmem_shared>>)
        tpu.yield
      }) : () -> ()
    }
    %scan3A_22 = arith.constant 78 : i32
    %add3A_23 = arith.constant 9984 : i32
    %add3A_24 = arith.addi %mul3A_2, %add3A_23 : i32
    "tpu.region"() ({
      %run_scoped3A = tpu.sem_alloc : memref<!tpu.dma_semaphore, #tpu.memory_space<semaphore_mem>>
      %dma_start3A = tpu.memref_slice %arg4[%add3A_24] : memref<320000xi32, #tpu.memory_space<hbm>> -> memref<16xi32, #tpu.memory_space<hbm>>
      %dma_start3A_36 = tpu.memref_slice %arg4[%add3A_24] : memref<320000xi32, #tpu.memory_space<hbm>> -> memref<16xi32, #tpu.memory_space<hbm>>
      tpu.enqueue_dma source(%dma_start3A_36 : memref<16xi32, #tpu.memory_space<hbm>>) target(%arg14 : memref<16xi32, #tpu.memory_space<vmem>>) target_semaphore(%run_scoped3A : memref<!tpu.dma_semaphore, #tpu.memory_space<semaphore_mem>>)
      %dma_wait3A = tpu.memref_slice %arg4[%add3A_24] : memref<320000xi32, #tpu.memory_space<hbm>> -> memref<16xi32, #tpu.memory_space<hbm>>
      %dma_wait3A_37 = tpu.memref_slice %arg4[%add3A_24] : memref<320000xi32, #tpu.memory_space<hbm>> -> memref<16xi32, #tpu.memory_space<hbm>>
      tpu.wait_dma2 semaphore(%run_scoped3A : memref<!tpu.dma_semaphore, #tpu.memory_space<semaphore_mem>>) src(%dma_wait3A_37 : memref<16xi32, #tpu.memory_space<hbm>>) dst(%arg14 : memref<16xi32, #tpu.memory_space<vmem>>)
      tpu.yield
    }) : () -> ()
    "tpu.region"() ({
      %run_scoped3A = tpu.sem_alloc : memref<!tpu.dma_semaphore, #tpu.memory_space<semaphore_mem>>
      %dma_start3A = arith.constant 0 : i32
      %dma_start3A_36 = tpu.memref_slice %arg2[%add3A_24, %dma_start3A] : memref<320000x128xf32, #tpu.memory_space<hbm>> -> memref<16x128xf32, #tpu.memory_space<hbm>>
      %dma_start3A_37 = arith.constant 0 : i32
      %dma_start3A_38 = tpu.memref_slice %arg2[%add3A_24, %dma_start3A_37] : memref<320000x128xf32, #tpu.memory_space<hbm>> -> memref<16x128xf32, #tpu.memory_space<hbm>>
      tpu.enqueue_dma source(%dma_start3A_38 : memref<16x128xf32, #tpu.memory_space<hbm>>) target(%arg12 : memref<16x128xf32, #tpu.memory_space<vmem>>) target_semaphore(%run_scoped3A : memref<!tpu.dma_semaphore, #tpu.memory_space<semaphore_mem>>)
      %dma_wait3A = arith.constant 0 : i32
      %dma_wait3A_39 = tpu.memref_slice %arg2[%add3A_24, %dma_wait3A] : memref<320000x128xf32, #tpu.memory_space<hbm>> -> memref<16x128xf32, #tpu.memory_space<hbm>>
      %dma_wait3A_40 = arith.constant 0 : i32
      %dma_wait3A_41 = tpu.memref_slice %arg2[%add3A_24, %dma_wait3A_40] : memref<320000x128xf32, #tpu.memory_space<hbm>> -> memref<16x128xf32, #tpu.memory_space<hbm>>
      tpu.wait_dma2 semaphore(%run_scoped3A : memref<!tpu.dma_semaphore, #tpu.memory_space<semaphore_mem>>) src(%dma_wait3A_41 : memref<16x128xf32, #tpu.memory_space<hbm>>) dst(%arg12 : memref<16x128xf32, #tpu.memory_space<vmem>>)
      tpu.yield
    }) : () -> ()
    "tpu.region"() ({
      %run_scoped3A = tpu.sem_alloc : memref<!tpu.dma_semaphore, #tpu.memory_space<semaphore_mem>>
      %dma_start3A = arith.constant 0 : i32
      %dma_start3A_36 = arith.constant 0 : i32
      %dma_start3A_37 = tpu.memref_slice %arg16[%dma_start3A, %dma_start3A_36] : memref<10000x128xf32, #tpu.memory_space<vmem_shared>> -> memref<10000x128xf32, #tpu.memory_space<vmem_shared>>
      tpu.enqueue_indirect_dma source(%arg12 : memref<16x128xf32, #tpu.memory_space<vmem>>) target(%dma_start3A_37 : memref<10000x128xf32, #tpu.memory_space<vmem_shared>>) offsets(%arg14 : memref<16xi32, #tpu.memory_space<vmem>>) semaphore(%run_scoped3A : memref<!tpu.dma_semaphore, #tpu.memory_space<semaphore_mem>>) {add = true}
      %dma_wait3A = arith.constant 0 : i32
      %dma_wait3A_38 = arith.constant 0 : i32
      %dma_wait3A_39 = tpu.memref_slice %arg16[%dma_wait3A, %dma_wait3A_38] : memref<10000x128xf32, #tpu.memory_space<vmem_shared>> -> memref<10000x128xf32, #tpu.memory_space<vmem_shared>>
      tpu.wait_indirect_dma semaphore(%run_scoped3A : memref<!tpu.dma_semaphore, #tpu.memory_space<semaphore_mem>>) src(%arg12 : memref<16x128xf32, #tpu.memory_space<vmem>>) dst(%dma_wait3A_39 : memref<10000x128xf32, #tpu.memory_space<vmem_shared>>)
      tpu.yield
    }) : () -> ()
    "tpu.region"() ({
      %run_scoped3A = tpu.sem_alloc : memref<!tpu.dma_semaphore, #tpu.memory_space<semaphore_mem>>
      %dma_start3A = tpu.memref_slice %arg3[%add3A_24] : memref<320000xf32, #tpu.memory_space<hbm>> -> memref<16xf32, #tpu.memory_space<hbm>>
      %dma_start3A_36 = tpu.memref_slice %arg3[%add3A_24] : memref<320000xf32, #tpu.memory_space<hbm>> -> memref<16xf32, #tpu.memory_space<hbm>>
      tpu.enqueue_dma source(%dma_start3A_36 : memref<16xf32, #tpu.memory_space<hbm>>) target(%arg13 : memref<16xf32, #tpu.memory_space<vmem>>) target_semaphore(%run_scoped3A : memref<!tpu.dma_semaphore, #tpu.memory_space<semaphore_mem>>)
      %dma_wait3A = tpu.memref_slice %arg3[%add3A_24] : memref<320000xf32, #tpu.memory_space<hbm>> -> memref<16xf32, #tpu.memory_space<hbm>>
      %dma_wait3A_37 = tpu.memref_slice %arg3[%add3A_24] : memref<320000xf32, #tpu.memory_space<hbm>> -> memref<16xf32, #tpu.memory_space<hbm>>
      tpu.wait_dma2 semaphore(%run_scoped3A : memref<!tpu.dma_semaphore, #tpu.memory_space<semaphore_mem>>) src(%dma_wait3A_37 : memref<16xf32, #tpu.memory_space<hbm>>) dst(%arg13 : memref<16xf32, #tpu.memory_space<vmem>>)
      tpu.yield
    }) : () -> ()
    "tpu.region"() ({
      %run_scoped3A = tpu.sem_alloc : memref<!tpu.dma_semaphore, #tpu.memory_space<semaphore_mem>>
      %dma_start3A = arith.constant 0 : i32
      %dma_start3A_36 = tpu.memref_slice %arg17[%dma_start3A] : memref<10000xf32, #tpu.memory_space<vmem_shared>> -> memref<10000xf32, #tpu.memory_space<vmem_shared>>
      tpu.enqueue_indirect_dma source(%arg13 : memref<16xf32, #tpu.memory_space<vmem>>) target(%dma_start3A_36 : memref<10000xf32, #tpu.memory_space<vmem_shared>>) offsets(%arg14 : memref<16xi32, #tpu.memory_space<vmem>>) semaphore(%run_scoped3A : memref<!tpu.dma_semaphore, #tpu.memory_space<semaphore_mem>>) {add = true}
      %dma_wait3A = arith.constant 0 : i32
      %dma_wait3A_37 = tpu.memref_slice %arg17[%dma_wait3A] : memref<10000xf32, #tpu.memory_space<vmem_shared>> -> memref<10000xf32, #tpu.memory_space<vmem_shared>>
      tpu.wait_indirect_dma semaphore(%run_scoped3A : memref<!tpu.dma_semaphore, #tpu.memory_space<semaphore_mem>>) src(%arg13 : memref<16xf32, #tpu.memory_space<vmem>>) dst(%dma_wait3A_37 : memref<10000xf32, #tpu.memory_space<vmem_shared>>)
      tpu.yield
    }) : () -> ()
    %barrier3A_25 = arith.constant 0 : index
    tpu.barrier barrier_id(%barrier3A_25)
    %eq3A_26 = arith.constant 0 : i32
    %eq3A_27 = arith.cmpi eq, %arg0, %eq3A_26 : i32
    %convert_element_type3A_28 = arith.extui %eq3A_27 : i1 to i32
    %cond3A_29 = arith.constant 0 : i32
    %cond3A_30 = arith.cmpi ne, %convert_element_type3A_28, %cond3A_29 : i32
    scf.if %cond3A_30 {
      %mul3A_36 = arith.constant 624 : i32
      %mul3A_37 = arith.muli %arg1, %mul3A_36 : i32
      %mul3A_38 = arith.constant 624 : i32
      %mul3A_39 = arith.muli %arg1, %mul3A_38 : i32
      "tpu.region"() ({
        %run_scoped3A = tpu.sem_alloc : memref<!tpu.dma_semaphore, #tpu.memory_space<semaphore_mem>>
        %dma_start3A = arith.constant 0 : i32
        %dma_start3A_50 = tpu.memref_slice %arg5[%mul3A_39, %dma_start3A] : memref<10000x128xf32, #tpu.memory_space<hbm>> -> memref<624x128xf32, #tpu.memory_space<hbm>>
        %dma_start3A_51 = arith.constant 0 : i32
        %dma_start3A_52 = tpu.memref_slice %arg16[%mul3A_37, %dma_start3A_51] : memref<10000x128xf32, #tpu.memory_space<vmem_shared>> -> memref<624x128xf32, #tpu.memory_space<vmem_shared>>
        tpu.enqueue_dma source(%dma_start3A_52 : memref<624x128xf32, #tpu.memory_space<vmem_shared>>) target(%dma_start3A_50 : memref<624x128xf32, #tpu.memory_space<hbm>>) target_semaphore(%run_scoped3A : memref<!tpu.dma_semaphore, #tpu.memory_space<semaphore_mem>>)
        %dma_wait3A = arith.constant 0 : i32
        %dma_wait3A_53 = tpu.memref_slice %arg5[%mul3A_39, %dma_wait3A] : memref<10000x128xf32, #tpu.memory_space<hbm>> -> memref<624x128xf32, #tpu.memory_space<hbm>>
        %dma_wait3A_54 = arith.constant 0 : i32
        %dma_wait3A_55 = tpu.memref_slice %arg16[%mul3A_37, %dma_wait3A_54] : memref<10000x128xf32, #tpu.memory_space<vmem_shared>> -> memref<624x128xf32, #tpu.memory_space<vmem_shared>>
        tpu.wait_dma2 semaphore(%run_scoped3A : memref<!tpu.dma_semaphore, #tpu.memory_space<semaphore_mem>>) src(%dma_wait3A_55 : memref<624x128xf32, #tpu.memory_space<vmem_shared>>) dst(%dma_wait3A_53 : memref<624x128xf32, #tpu.memory_space<hbm>>)
        tpu.yield
      }) : () -> ()
      %eq3A_40 = arith.constant 15 : i32
      %eq3A_41 = arith.cmpi eq, %arg1, %eq3A_40 : i32
      %convert_element_type3A_42 = arith.extui %eq3A_41 : i1 to i32
      %cond3A_43 = arith.constant 0 : i32
      %cond3A_44 = arith.cmpi ne, %convert_element_type3A_42, %cond3A_43 : i32
      scf.if %cond3A_44 {
        "tpu.region"() ({
          %run_scoped3A = tpu.sem_alloc : memref<!tpu.dma_semaphore, #tpu.memory_space<semaphore_mem>>
          %dma_start3A = arith.constant 9984 : i32
          %dma_start3A_50 = arith.constant 0 : i32
          %dma_start3A_51 = tpu.memref_slice %arg5[%dma_start3A, %dma_start3A_50] : memref<10000x128xf32, #tpu.memory_space<hbm>> -> memref<16x128xf32, #tpu.memory_space<hbm>>
          %dma_start3A_52 = arith.constant 9984 : i32
          %dma_start3A_53 = arith.constant 0 : i32
          %dma_start3A_54 = tpu.memref_slice %arg16[%dma_start3A_52, %dma_start3A_53] : memref<10000x128xf32, #tpu.memory_space<vmem_shared>> -> memref<16x128xf32, #tpu.memory_space<vmem_shared>>
          tpu.enqueue_dma source(%dma_start3A_54 : memref<16x128xf32, #tpu.memory_space<vmem_shared>>) target(%dma_start3A_51 : memref<16x128xf32, #tpu.memory_space<hbm>>) target_semaphore(%run_scoped3A : memref<!tpu.dma_semaphore, #tpu.memory_space<semaphore_mem>>)
          %dma_wait3A = arith.constant 9984 : i32
          %dma_wait3A_55 = arith.constant 0 : i32
          %dma_wait3A_56 = tpu.memref_slice %arg5[%dma_wait3A, %dma_wait3A_55] : memref<10000x128xf32, #tpu.memory_space<hbm>> -> memref<16x128xf32, #tpu.memory_space<hbm>>
          %dma_wait3A_57 = arith.constant 9984 : i32
          %dma_wait3A_58 = arith.constant 0 : i32
          %dma_wait3A_59 = tpu.memref_slice %arg16[%dma_wait3A_57, %dma_wait3A_58] : memref<10000x128xf32, #tpu.memory_space<vmem_shared>> -> memref<16x128xf32, #tpu.memory_space<vmem_shared>>
          tpu.wait_dma2 semaphore(%run_scoped3A : memref<!tpu.dma_semaphore, #tpu.memory_space<semaphore_mem>>) src(%dma_wait3A_59 : memref<16x128xf32, #tpu.memory_space<vmem_shared>>) dst(%dma_wait3A_56 : memref<16x128xf32, #tpu.memory_space<hbm>>)
          tpu.yield
        }) : () -> ()
      } else {
      }
      %eq3A_45 = arith.constant 0 : i32
      %eq3A_46 = arith.cmpi eq, %arg1, %eq3A_45 : i32
      %convert_element_type3A_47 = arith.extui %eq3A_46 : i1 to i32
      %cond3A_48 = arith.constant 0 : i32
      %cond3A_49 = arith.cmpi ne, %convert_element_type3A_47, %cond3A_48 : i32
      scf.if %cond3A_49 {
        "tpu.region"() ({
          %run_scoped3A = tpu.sem_alloc : memref<!tpu.dma_semaphore, #tpu.memory_space<semaphore_mem>>
          tpu.enqueue_dma source(%arg17 : memref<10000xf32, #tpu.memory_space<vmem_shared>>) target(%arg7 : memref<10000xf32, #tpu.memory_space<hbm>>) target_semaphore(%run_scoped3A : memref<!tpu.dma_semaphore, #tpu.memory_space<semaphore_mem>>)
          tpu.wait_dma2 semaphore(%run_scoped3A : memref<!tpu.dma_semaphore, #tpu.memory_space<semaphore_mem>>) src(%arg17 : memref<10000xf32, #tpu.memory_space<vmem_shared>>) dst(%arg7 : memref<10000xf32, #tpu.memory_space<hbm>>)
          tpu.yield
        }) : () -> ()
      } else {
      }
    } else {
    }
    %eq3A_31 = arith.constant 1 : i32
    %eq3A_32 = arith.cmpi eq, %arg0, %eq3A_31 : i32
    %convert_element_type3A_33 = arith.extui %eq3A_32 : i1 to i32
    %cond3A_34 = arith.constant 0 : i32
    %cond3A_35 = arith.cmpi ne, %convert_element_type3A_33, %cond3A_34 : i32
    scf.if %cond3A_35 {
      %mul3A_36 = arith.constant 624 : i32
      %mul3A_37 = arith.muli %arg1, %mul3A_36 : i32
      %mul3A_38 = arith.constant 624 : i32
      %mul3A_39 = arith.muli %arg1, %mul3A_38 : i32
      "tpu.region"() ({
        %run_scoped3A = tpu.sem_alloc : memref<!tpu.dma_semaphore, #tpu.memory_space<semaphore_mem>>
        %dma_start3A = arith.constant 0 : i32
        %dma_start3A_50 = tpu.memref_slice %arg6[%mul3A_39, %dma_start3A] : memref<10000x128xf32, #tpu.memory_space<hbm>> -> memref<624x128xf32, #tpu.memory_space<hbm>>
        %dma_start3A_51 = arith.constant 0 : i32
        %dma_start3A_52 = tpu.memref_slice %arg16[%mul3A_37, %dma_start3A_51] : memref<10000x128xf32, #tpu.memory_space<vmem_shared>> -> memref<624x128xf32, #tpu.memory_space<vmem_shared>>
        tpu.enqueue_dma source(%dma_start3A_52 : memref<624x128xf32, #tpu.memory_space<vmem_shared>>) target(%dma_start3A_50 : memref<624x128xf32, #tpu.memory_space<hbm>>) target_semaphore(%run_scoped3A : memref<!tpu.dma_semaphore, #tpu.memory_space<semaphore_mem>>)
        %dma_wait3A = arith.constant 0 : i32
        %dma_wait3A_53 = tpu.memref_slice %arg6[%mul3A_39, %dma_wait3A] : memref<10000x128xf32, #tpu.memory_space<hbm>> -> memref<624x128xf32, #tpu.memory_space<hbm>>
        %dma_wait3A_54 = arith.constant 0 : i32
        %dma_wait3A_55 = tpu.memref_slice %arg16[%mul3A_37, %dma_wait3A_54] : memref<10000x128xf32, #tpu.memory_space<vmem_shared>> -> memref<624x128xf32, #tpu.memory_space<vmem_shared>>
        tpu.wait_dma2 semaphore(%run_scoped3A : memref<!tpu.dma_semaphore, #tpu.memory_space<semaphore_mem>>) src(%dma_wait3A_55 : memref<624x128xf32, #tpu.memory_space<vmem_shared>>) dst(%dma_wait3A_53 : memref<624x128xf32, #tpu.memory_space<hbm>>)
        tpu.yield
      }) : () -> ()
      %eq3A_40 = arith.constant 15 : i32
      %eq3A_41 = arith.cmpi eq, %arg1, %eq3A_40 : i32
      %convert_element_type3A_42 = arith.extui %eq3A_41 : i1 to i32
      %cond3A_43 = arith.constant 0 : i32
      %cond3A_44 = arith.cmpi ne, %convert_element_type3A_42, %cond3A_43 : i32
      scf.if %cond3A_44 {
        "tpu.region"() ({
          %run_scoped3A = tpu.sem_alloc : memref<!tpu.dma_semaphore, #tpu.memory_space<semaphore_mem>>
          %dma_start3A = arith.constant 9984 : i32
          %dma_start3A_50 = arith.constant 0 : i32
          %dma_start3A_51 = tpu.memref_slice %arg6[%dma_start3A, %dma_start3A_50] : memref<10000x128xf32, #tpu.memory_space<hbm>> -> memref<16x128xf32, #tpu.memory_space<hbm>>
          %dma_start3A_52 = arith.constant 9984 : i32
          %dma_start3A_53 = arith.constant 0 : i32
          %dma_start3A_54 = tpu.memref_slice %arg16[%dma_start3A_52, %dma_start3A_53] : memref<10000x128xf32, #tpu.memory_space<vmem_shared>> -> memref<16x128xf32, #tpu.memory_space<vmem_shared>>
          tpu.enqueue_dma source(%dma_start3A_54 : memref<16x128xf32, #tpu.memory_space<vmem_shared>>) target(%dma_start3A_51 : memref<16x128xf32, #tpu.memory_space<hbm>>) target_semaphore(%run_scoped3A : memref<!tpu.dma_semaphore, #tpu.memory_space<semaphore_mem>>)
          %dma_wait3A = arith.constant 9984 : i32
          %dma_wait3A_55 = arith.constant 0 : i32
          %dma_wait3A_56 = tpu.memref_slice %arg6[%dma_wait3A, %dma_wait3A_55] : memref<10000x128xf32, #tpu.memory_space<hbm>> -> memref<16x128xf32, #tpu.memory_space<hbm>>
          %dma_wait3A_57 = arith.constant 9984 : i32
          %dma_wait3A_58 = arith.constant 0 : i32
          %dma_wait3A_59 = tpu.memref_slice %arg16[%dma_wait3A_57, %dma_wait3A_58] : memref<10000x128xf32, #tpu.memory_space<vmem_shared>> -> memref<16x128xf32, #tpu.memory_space<vmem_shared>>
          tpu.wait_dma2 semaphore(%run_scoped3A : memref<!tpu.dma_semaphore, #tpu.memory_space<semaphore_mem>>) src(%dma_wait3A_59 : memref<16x128xf32, #tpu.memory_space<vmem_shared>>) dst(%dma_wait3A_56 : memref<16x128xf32, #tpu.memory_space<hbm>>)
          tpu.yield
        }) : () -> ()
      } else {
      }
      %eq3A_45 = arith.constant 0 : i32
      %eq3A_46 = arith.cmpi eq, %arg1, %eq3A_45 : i32
      %convert_element_type3A_47 = arith.extui %eq3A_46 : i1 to i32
      %cond3A_48 = arith.constant 0 : i32
      %cond3A_49 = arith.cmpi ne, %convert_element_type3A_47, %cond3A_48 : i32
      scf.if %cond3A_49 {
        "tpu.region"() ({
          %run_scoped3A = tpu.sem_alloc : memref<!tpu.dma_semaphore, #tpu.memory_space<semaphore_mem>>
          tpu.enqueue_dma source(%arg17 : memref<10000xf32, #tpu.memory_space<vmem_shared>>) target(%arg8 : memref<10000xf32, #tpu.memory_space<hbm>>) target_semaphore(%run_scoped3A : memref<!tpu.dma_semaphore, #tpu.memory_space<semaphore_mem>>)
          tpu.wait_dma2 semaphore(%run_scoped3A : memref<!tpu.dma_semaphore, #tpu.memory_space<semaphore_mem>>) src(%arg17 : memref<10000xf32, #tpu.memory_space<vmem_shared>>) dst(%arg8 : memref<10000xf32, #tpu.memory_space<hbm>>)
          tpu.yield
        }) : () -> ()
      } else {
      }
    } else {
    }
    return
  }
}

module attributes {stable_mosaic.version = 14 : i64} {
  func.func @_tc_a_body(%arg0: i32, %arg1: memref<400x128xf32, #tpu.memory_space<vmem>>, %arg2: memref<128x128xf32, #tpu.memory_space<vmem>>, %arg3: memref<1x128xf32, #tpu.memory_space<vmem>>, %arg4: memref<400x128xf32, #tpu.memory_space<vmem>>, %arg5: memref<400x1xf32, #tpu.memory_space<vmem>>) attributes {dimension_semantics = [#tpu.dimension_semantics<arbitrary>], iteration_bounds = array<i64: 25>, scalar_prefetch = 0 : i64, scratch_operands = 0 : i64, tpu.core_type = #tpu.core_type<tc>, window_params = [{transform_indices = @transform_0, window_bounds = array<i64: 400, 128>}, {pipeline_mode = #tpu.pipeline_mode<synchronous>, transform_indices = @transform_1, window_bounds = array<i64: 128, 128>}, {pipeline_mode = #tpu.pipeline_mode<synchronous>, transform_indices = @transform_2, window_bounds = array<i64: 1, 128>}, {transform_indices = @transform_3, window_bounds = array<i64: 400, 128>}, {transform_indices = @transform_4, window_bounds = array<i64: 400, 1>}]} {
    %get3A = arith.constant 0 : index
    %get3A_0 = arith.constant 0 : index
    %get3A_1 = vector.load %arg1[%get3A, %get3A_0] : memref<400x128xf32, #tpu.memory_space<vmem>>, vector<400x128xf32>
    %get3A_2 = arith.constant 0 : index
    %get3A_3 = arith.constant 0 : index
    %get3A_4 = vector.load %arg2[%get3A_2, %get3A_3] : memref<128x128xf32, #tpu.memory_space<vmem>>, vector<128x128xf32>
    %dot_general3A = arith.constant dense<0.000000e+00> : vector<400x128xf32>
    %dot_general3A_5 = tpu.matmul %get3A_1, %get3A_4, %dot_general3A {dimension_numbers = #tpu.dot_dimension_numbers<[1], [0], [0], [1], [0, 0, 1, 1], [], []>, transpose_lhs_hint = false} : vector<400x128xf32>, vector<128x128xf32>, vector<400x128xf32> -> vector<400x128xf32>
    %swap3A = arith.constant 0 : index
    %swap3A_6 = arith.constant 0 : index
    %swap3A_7 = vector.load %arg4[%swap3A, %swap3A_6] : memref<400x128xf32, #tpu.memory_space<vmem>>, vector<400x128xf32>
    tpu.vector_store %arg4[%swap3A, %swap3A_6], %dot_general3A_5 {strides = array<i32>} : memref<400x128xf32, #tpu.memory_space<vmem>>, vector<400x128xf32>,
    %get3A_8 = arith.constant 0 : index
    %get3A_9 = arith.constant 0 : index
    %get3A_10 = vector.load %arg3[%get3A_8, %get3A_9] : memref<1x128xf32, #tpu.memory_space<vmem>>, vector<1x128xf32>
    %mul3A = vector.broadcast %get3A_10 : vector<1x128xf32> to vector<400x128xf32>
    %mul3A_11 = arith.mulf %get3A_1, %mul3A : vector<400x128xf32>
    %reduce_sum3A = arith.constant dense<0.000000e+00> : vector<400xf32>
    %reduce_sum3A_12 = vector.multi_reduction <add>, %mul3A_11, %reduce_sum3A [1] : vector<400x128xf32> to vector<400xf32>
    %broadcast_in_dim3A = vector.shape_cast %reduce_sum3A_12 : vector<400xf32> to vector<400x1xf32>
    %swap3A_13 = arith.constant 0 : index
    %swap3A_14 = arith.constant 0 : index
    %swap3A_15 = vector.load %arg5[%swap3A_13, %swap3A_14] : memref<400x1xf32, #tpu.memory_space<vmem>>, vector<400x1xf32>
    tpu.vector_store %arg5[%swap3A_13, %swap3A_14], %broadcast_in_dim3A {strides = array<i32>} : memref<400x1xf32, #tpu.memory_space<vmem>>, vector<400x1xf32>,
    return
  }
  func.func @transform_0(%arg0: i32) -> (i32, i32) {
    %c0_i32 = arith.constant 0 : i32
    %c0_i32_0 = arith.constant 0 : i32
    return %arg0, %c0_i32 : i32, i32
  }
  func.func @transform_1(%arg0: i32) -> (i32, i32) {
    %c0_i32 = arith.constant 0 : i32
    %c0_i32_0 = arith.constant 0 : i32
    %c0_i32_1 = arith.constant 0 : i32
    return %c0_i32, %c0_i32_0 : i32, i32
  }
  func.func @transform_2(%arg0: i32) -> (i32, i32) {
    %c0_i32 = arith.constant 0 : i32
    %c0_i32_0 = arith.constant 0 : i32
    %c0_i32_1 = arith.constant 0 : i32
    return %c0_i32, %c0_i32_0 : i32, i32
  }
  func.func @transform_3(%arg0: i32) -> (i32, i32) {
    %c0_i32 = arith.constant 0 : i32
    %c0_i32_0 = arith.constant 0 : i32
    return %arg0, %c0_i32 : i32, i32
  }
  func.func @transform_4(%arg0: i32) -> (i32, i32) {
    %c0_i32 = arith.constant 0 : i32
    %c0_i32_0 = arith.constant 0 : i32
    return %arg0, %c0_i32 : i32, i32
  }
}

module attributes {stable_mosaic.version = 14 : i64} {
  func.func @_tc_b1_body(%arg0: i32, %arg1: memref<2560x128xf32, #tpu.memory_space<vmem>>, %arg2: memref<2560x16xf32, #tpu.memory_space<vmem>>, %arg3: memref<2560x1xf32, #tpu.memory_space<vmem>>, %arg4: memref<16x128xf32, #tpu.memory_space<vmem>>, %arg5: memref<128x1xf32, #tpu.memory_space<vmem>>, %arg6: memref<2560x1xf32, #tpu.memory_space<vmem>>, %arg7: memref<1x1xf32, #tpu.memory_space<vmem>>) attributes {dimension_semantics = [#tpu.dimension_semantics<arbitrary>], iteration_bounds = array<i64: 125>, scalar_prefetch = 0 : i64, scratch_operands = 0 : i64, tpu.core_type = #tpu.core_type<tc>, window_params = [{transform_indices = @transform_0, window_bounds = array<i64: 2560, 128>}, {transform_indices = @transform_1, window_bounds = array<i64: 2560, 16>}, {transform_indices = @transform_2, window_bounds = array<i64: 2560, 1>}, {pipeline_mode = #tpu.pipeline_mode<synchronous>, transform_indices = @transform_3, window_bounds = array<i64: 16, 128>}, {pipeline_mode = #tpu.pipeline_mode<synchronous>, transform_indices = @transform_4, window_bounds = array<i64: 128, 1>}, {transform_indices = @transform_5, window_bounds = array<i64: 2560, 1>}, {pipeline_mode = #tpu.pipeline_mode<synchronous>, transform_indices = @transform_6, window_bounds = array<i64: 1, 1>}]} {
    %get3A = arith.constant 0 : index
    %get3A_0 = arith.constant 0 : index
    %get3A_1 = vector.load %arg1[%get3A, %get3A_0] : memref<2560x128xf32, #tpu.memory_space<vmem>>, vector<2560x128xf32>
    %get3A_2 = arith.constant 0 : index
    %get3A_3 = arith.constant 0 : index
    %get3A_4 = vector.load %arg2[%get3A_2, %get3A_3] : memref<2560x16xf32, #tpu.memory_space<vmem>>, vector<2560x16xf32>
    %get3A_5 = arith.constant 0 : index
    %get3A_6 = arith.constant 0 : index
    %get3A_7 = vector.load %arg4[%get3A_5, %get3A_6] : memref<16x128xf32, #tpu.memory_space<vmem>>, vector<16x128xf32>
    %dot_general3A = arith.constant dense<0.000000e+00> : vector<2560x128xf32>
    %dot_general3A_8 = tpu.matmul %get3A_4, %get3A_7, %dot_general3A {dimension_numbers = #tpu.dot_dimension_numbers<[1], [0], [0], [1], [0, 0, 1, 1], [], []>, transpose_lhs_hint = false} : vector<2560x16xf32>, vector<16x128xf32>, vector<2560x128xf32> -> vector<2560x128xf32>
    %add3A = arith.addf %get3A_1, %dot_general3A_8 : vector<2560x128xf32>
    %max3A = arith.constant 0.000000e+00 : f32
    %max3A_9 = vector.broadcast %max3A : f32 to vector<2560x128xf32>
    %max3A_10 = arith.maximumf %add3A, %max3A_9 : vector<2560x128xf32>
    %get3A_11 = arith.constant 0 : index
    %get3A_12 = arith.constant 0 : index
    %get3A_13 = vector.load %arg5[%get3A_11, %get3A_12] : memref<128x1xf32, #tpu.memory_space<vmem>>, vector<128x1xf32>
    %dot_general3A_14 = arith.constant dense<0.000000e+00> : vector<2560x1xf32>
    %dot_general3A_15 = tpu.matmul %max3A_10, %get3A_13, %dot_general3A_14 {dimension_numbers = #tpu.dot_dimension_numbers<[1], [0], [0], [1], [0, 0, 1, 1], [], []>, transpose_lhs_hint = false} : vector<2560x128xf32>, vector<128x1xf32>, vector<2560x1xf32> -> vector<2560x1xf32>
    %get3A_16 = arith.constant 0 : index
    %get3A_17 = arith.constant 0 : index
    %get3A_18 = vector.load %arg3[%get3A_16, %get3A_17] : memref<2560x1xf32, #tpu.memory_space<vmem>>, vector<2560x1xf32>
    %add3A_19 = arith.addf %dot_general3A_15, %get3A_18 : vector<2560x1xf32>
    %ge3A = arith.constant 0.000000e+00 : f32
    %ge3A_20 = vector.broadcast %ge3A : f32 to vector<2560x1xf32>
    %ge3A_21 = arith.cmpf oge, %add3A_19, %ge3A_20 : vector<2560x1xf32>
    %mul3A = arith.constant 2.000000e-01 : f32
    %mul3A_22 = vector.broadcast %mul3A : f32 to vector<2560x1xf32>
    %mul3A_23 = arith.mulf %mul3A_22, %add3A_19 : vector<2560x1xf32>
    %select_n3A = arith.select %ge3A_21, %add3A_19, %mul3A_23 : vector<2560x1xi1>, vector<2560x1xf32>
    %swap3A = arith.constant 0 : index
    %swap3A_24 = arith.constant 0 : index
    %swap3A_25 = vector.load %arg6[%swap3A, %swap3A_24] : memref<2560x1xf32, #tpu.memory_space<vmem>>, vector<2560x1xf32>
    tpu.vector_store %arg6[%swap3A, %swap3A_24], %select_n3A {strides = array<i32>} : memref<2560x1xf32, #tpu.memory_space<vmem>>, vector<2560x1xf32>,
    %eq3A = arith.constant 0 : i32
    %eq3A_26 = arith.cmpi eq, %arg0, %eq3A : i32
    %convert_element_type3A = arith.extui %eq3A_26 : i1 to i32
    %cond3A = arith.constant 0 : i32
    %cond3A_27 = arith.cmpi ne, %convert_element_type3A, %cond3A : i32
    scf.if %cond3A_27 {
      %broadcast_in_dim3A = arith.constant 0xFF800000 : f32
      %broadcast_in_dim3A_40 = vector.broadcast %broadcast_in_dim3A : f32 to vector<1x1xf32>
      %swap3A_41 = arith.constant 0 : index
      %swap3A_42 = arith.constant 0 : index
      %swap3A_43 = vector.load %arg7[%swap3A_41, %swap3A_42] : memref<1x1xf32, #tpu.memory_space<vmem>>, vector<1x1xf32>
      tpu.vector_store %arg7[%swap3A_41, %swap3A_42], %broadcast_in_dim3A_40 {strides = array<i32>} : memref<1x1xf32, #tpu.memory_space<vmem>>, vector<1x1xf32>,
    } else {
    }
    %get3A_28 = arith.constant 0 : index
    %get3A_29 = arith.constant 0 : index
    %get3A_30 = vector.load %arg7[%get3A_28, %get3A_29] : memref<1x1xf32, #tpu.memory_space<vmem>>, vector<1x1xf32>
    %reduce_max3A = vector.shape_cast %select_n3A : vector<2560x1xf32> to vector<1x2560x1xf32>
    %reduce_max3A_31 = arith.constant dense<0xFF800000> : vector<1xf32>
    %reduce_max3A_32 = vector.multi_reduction <maximumf>, %reduce_max3A, %reduce_max3A_31 [1, 2] : vector<1x2560x1xf32> to vector<1xf32>
    %reduce_max3A_33 = vector.shape_cast %reduce_max3A_32 : vector<1xf32> to vector<1x1x1xf32>
    %reduce_max3A_34 = vector.extract %reduce_max3A_33[0, 0, 0] : f32 from vector<1x1x1xf32>
    %max3A_35 = vector.broadcast %reduce_max3A_34 : f32 to vector<1x1xf32>
    %max3A_36 = arith.maximumf %get3A_30, %max3A_35 : vector<1x1xf32>
    %swap3A_37 = arith.constant 0 : index
    %swap3A_38 = arith.constant 0 : index
    %swap3A_39 = vector.load %arg7[%swap3A_37, %swap3A_38] : memref<1x1xf32, #tpu.memory_space<vmem>>, vector<1x1xf32>
    tpu.vector_store %arg7[%swap3A_37, %swap3A_38], %max3A_36 {strides = array<i32>} : memref<1x1xf32, #tpu.memory_space<vmem>>, vector<1x1xf32>,
    return
  }
  func.func @transform_0(%arg0: i32) -> (i32, i32) {
    %c0_i32 = arith.constant 0 : i32
    %c0_i32_0 = arith.constant 0 : i32
    return %arg0, %c0_i32 : i32, i32
  }
  func.func @transform_1(%arg0: i32) -> (i32, i32) {
    %c0_i32 = arith.constant 0 : i32
    %c0_i32_0 = arith.constant 0 : i32
    return %arg0, %c0_i32 : i32, i32
  }
  func.func @transform_2(%arg0: i32) -> (i32, i32) {
    %c0_i32 = arith.constant 0 : i32
    %c0_i32_0 = arith.constant 0 : i32
    return %arg0, %c0_i32 : i32, i32
  }
  func.func @transform_3(%arg0: i32) -> (i32, i32) {
    %c0_i32 = arith.constant 0 : i32
    %c0_i32_0 = arith.constant 0 : i32
    %c0_i32_1 = arith.constant 0 : i32
    return %c0_i32, %c0_i32_0 : i32, i32
  }
  func.func @transform_4(%arg0: i32) -> (i32, i32) {
    %c0_i32 = arith.constant 0 : i32
    %c0_i32_0 = arith.constant 0 : i32
    %c0_i32_1 = arith.constant 0 : i32
    return %c0_i32, %c0_i32_0 : i32, i32
  }
  func.func @transform_5(%arg0: i32) -> (i32, i32) {
    %c0_i32 = arith.constant 0 : i32
    %c0_i32_0 = arith.constant 0 : i32
    return %arg0, %c0_i32 : i32, i32
  }
  func.func @transform_6(%arg0: i32) -> (i32, i32) {
    %c0_i32 = arith.constant 0 : i32
    %c0_i32_0 = arith.constant 0 : i32
    %c0_i32_1 = arith.constant 0 : i32
    return %c0_i32, %c0_i32_0 : i32, i32
  }
}

module attributes {stable_mosaic.version = 14 : i64} {
  func.func @_tc_b2_body(%arg0: i32, %arg1: memref<2560x128xf32, #tpu.memory_space<vmem>>, %arg2: memref<2560x16xf32, #tpu.memory_space<vmem>>, %arg3: memref<2560x1xf32, #tpu.memory_space<vmem>>, %arg4: memref<1x1xf32, #tpu.memory_space<vmem>>, %arg5: memref<16x128xf32, #tpu.memory_space<vmem>>, %arg6: memref<2560x128xf32, #tpu.memory_space<vmem>>, %arg7: memref<2560x1xf32, #tpu.memory_space<vmem>>) attributes {dimension_semantics = [#tpu.dimension_semantics<arbitrary>], iteration_bounds = array<i64: 125>, scalar_prefetch = 0 : i64, scratch_operands = 0 : i64, tpu.core_type = #tpu.core_type<tc>, window_params = [{transform_indices = @transform_0, window_bounds = array<i64: 2560, 128>}, {transform_indices = @transform_1, window_bounds = array<i64: 2560, 16>}, {transform_indices = @transform_2, window_bounds = array<i64: 2560, 1>}, {pipeline_mode = #tpu.pipeline_mode<synchronous>, transform_indices = @transform_3, window_bounds = array<i64: 1, 1>}, {pipeline_mode = #tpu.pipeline_mode<synchronous>, transform_indices = @transform_4, window_bounds = array<i64: 16, 128>}, {transform_indices = @transform_5, window_bounds = array<i64: 2560, 128>}, {transform_indices = @transform_6, window_bounds = array<i64: 2560, 1>}]} {
    %get3A = arith.constant 0 : index
    %get3A_0 = arith.constant 0 : index
    %get3A_1 = vector.load %arg1[%get3A, %get3A_0] : memref<2560x128xf32, #tpu.memory_space<vmem>>, vector<2560x128xf32>
    %get3A_2 = arith.constant 0 : index
    %get3A_3 = arith.constant 0 : index
    %get3A_4 = vector.load %arg2[%get3A_2, %get3A_3] : memref<2560x16xf32, #tpu.memory_space<vmem>>, vector<2560x16xf32>
    %get3A_5 = arith.constant 0 : index
    %get3A_6 = arith.constant 0 : index
    %get3A_7 = vector.load %arg5[%get3A_5, %get3A_6] : memref<16x128xf32, #tpu.memory_space<vmem>>, vector<16x128xf32>
    %dot_general3A = arith.constant dense<0.000000e+00> : vector<2560x128xf32>
    %dot_general3A_8 = tpu.matmul %get3A_4, %get3A_7, %dot_general3A {dimension_numbers = #tpu.dot_dimension_numbers<[1], [0], [0], [1], [0, 0, 1, 1], [], []>, transpose_lhs_hint = false} : vector<2560x16xf32>, vector<16x128xf32>, vector<2560x128xf32> -> vector<2560x128xf32>
    %add3A = arith.addf %get3A_1, %dot_general3A_8 : vector<2560x128xf32>
    %max3A = arith.constant 0.000000e+00 : f32
    %max3A_9 = vector.broadcast %max3A : f32 to vector<2560x128xf32>
    %max3A_10 = arith.maximumf %add3A, %max3A_9 : vector<2560x128xf32>
    %get3A_11 = arith.constant 0 : index
    %get3A_12 = arith.constant 0 : index
    %get3A_13 = vector.load %arg3[%get3A_11, %get3A_12] : memref<2560x1xf32, #tpu.memory_space<vmem>>, vector<2560x1xf32>
    %get3A_14 = arith.constant 0 : index
    %get3A_15 = arith.constant 0 : index
    %get3A_16 = vector.load %arg4[%get3A_14, %get3A_15] : memref<1x1xf32, #tpu.memory_space<vmem>>, vector<1x1xf32>
    %sub3A = vector.broadcast %get3A_16 : vector<1x1xf32> to vector<2560x1xf32>
    %sub3A_17 = arith.subf %get3A_13, %sub3A : vector<2560x1xf32>
    %exp3A = math.exp %sub3A_17 : vector<2560x1xf32>
    %swap3A = arith.constant 0 : index
    %swap3A_18 = arith.constant 0 : index
    %swap3A_19 = vector.load %arg7[%swap3A, %swap3A_18] : memref<2560x1xf32, #tpu.memory_space<vmem>>, vector<2560x1xf32>
    tpu.vector_store %arg7[%swap3A, %swap3A_18], %exp3A {strides = array<i32>} : memref<2560x1xf32, #tpu.memory_space<vmem>>, vector<2560x1xf32>,
    %mul3A = vector.broadcast %exp3A : vector<2560x1xf32> to vector<2560x128xf32>
    %mul3A_20 = arith.mulf %max3A_10, %mul3A : vector<2560x128xf32>
    %swap3A_21 = arith.constant 0 : index
    %swap3A_22 = arith.constant 0 : index
    %swap3A_23 = vector.load %arg6[%swap3A_21, %swap3A_22] : memref<2560x128xf32, #tpu.memory_space<vmem>>, vector<2560x128xf32>
    tpu.vector_store %arg6[%swap3A_21, %swap3A_22], %mul3A_20 {strides = array<i32>} : memref<2560x128xf32, #tpu.memory_space<vmem>>, vector<2560x128xf32>,
    return
  }
  func.func @transform_0(%arg0: i32) -> (i32, i32) {
    %c0_i32 = arith.constant 0 : i32
    %c0_i32_0 = arith.constant 0 : i32
    return %arg0, %c0_i32 : i32, i32
  }
  func.func @transform_1(%arg0: i32) -> (i32, i32) {
    %c0_i32 = arith.constant 0 : i32
    %c0_i32_0 = arith.constant 0 : i32
    return %arg0, %c0_i32 : i32, i32
  }
  func.func @transform_2(%arg0: i32) -> (i32, i32) {
    %c0_i32 = arith.constant 0 : i32
    %c0_i32_0 = arith.constant 0 : i32
    return %arg0, %c0_i32 : i32, i32
  }
  func.func @transform_3(%arg0: i32) -> (i32, i32) {
    %c0_i32 = arith.constant 0 : i32
    %c0_i32_0 = arith.constant 0 : i32
    %c0_i32_1 = arith.constant 0 : i32
    return %c0_i32, %c0_i32_0 : i32, i32
  }
  func.func @transform_4(%arg0: i32) -> (i32, i32) {
    %c0_i32 = arith.constant 0 : i32
    %c0_i32_0 = arith.constant 0 : i32
    %c0_i32_1 = arith.constant 0 : i32
    return %c0_i32, %c0_i32_0 : i32, i32
  }
  func.func @transform_5(%arg0: i32) -> (i32, i32) {
    %c0_i32 = arith.constant 0 : i32
    %c0_i32_0 = arith.constant 0 : i32
    return %arg0, %c0_i32 : i32, i32
  }
  func.func @transform_6(%arg0: i32) -> (i32, i32) {
    %c0_i32 = arith.constant 0 : i32
    %c0_i32_0 = arith.constant 0 : i32
    return %arg0, %c0_i32 : i32, i32
  }
}

module attributes {stable_mosaic.version = 14 : i64} {
  func.func @_tc_c_body(%arg0: i32, %arg1: memref<400x128xf32, #tpu.memory_space<vmem>>, %arg2: memref<400x128xf32, #tpu.memory_space<vmem>>, %arg3: memref<400x1xf32, #tpu.memory_space<vmem>>, %arg4: memref<400x1xf32, #tpu.memory_space<vmem>>, %arg5: memref<400x128xf32, #tpu.memory_space<vmem>>, %arg6: memref<128x128xf32, #tpu.memory_space<vmem>>, %arg7: memref<128x128xf32, #tpu.memory_space<vmem>>, %arg8: memref<128x128xf32, #tpu.memory_space<vmem>>, %arg9: memref<128x128xf32, #tpu.memory_space<vmem>>, %arg10: memref<128x128xf32, #tpu.memory_space<vmem>>, %arg11: memref<128x128xf32, #tpu.memory_space<vmem>>, %arg12: memref<1x128xf32, #tpu.memory_space<vmem>>, %arg13: memref<1x128xf32, #tpu.memory_space<vmem>>, %arg14: memref<1x128xf32, #tpu.memory_space<vmem>>, %arg15: memref<400x128xf32, #tpu.memory_space<vmem>>) attributes {dimension_semantics = [#tpu.dimension_semantics<arbitrary>], iteration_bounds = array<i64: 25>, scalar_prefetch = 0 : i64, scratch_operands = 0 : i64, tpu.core_type = #tpu.core_type<tc>, window_params = [{transform_indices = @transform_0, window_bounds = array<i64: 400, 128>}, {transform_indices = @transform_1, window_bounds = array<i64: 400, 128>}, {transform_indices = @transform_2, window_bounds = array<i64: 400, 1>}, {transform_indices = @transform_3, window_bounds = array<i64: 400, 1>}, {transform_indices = @transform_4, window_bounds = array<i64: 400, 128>}, {pipeline_mode = #tpu.pipeline_mode<synchronous>, transform_indices = @transform_5, window_bounds = array<i64: 128, 128>}, {pipeline_mode = #tpu.pipeline_mode<synchronous>, transform_indices = @transform_6, window_bounds = array<i64: 128, 128>}, {pipeline_mode = #tpu.pipeline_mode<synchronous>, transform_indices = @transform_7, window_bounds = array<i64: 128, 128>}, {pipeline_mode = #tpu.pipeline_mode<synchronous>, transform_indices = @transform_8, window_bounds = array<i64: 128, 128>}, {pipeline_mode = #tpu.pipeline_mode<synchronous>, transform_indices = @transform_9, window_bounds = array<i64: 128, 128>}, {pipeline_mode = #tpu.pipeline_mode<synchronous>, transform_indices = @transform_10, window_bounds = array<i64: 128, 128>}, {pipeline_mode = #tpu.pipeline_mode<synchronous>, transform_indices = @transform_11, window_bounds = array<i64: 1, 128>}, {pipeline_mode = #tpu.pipeline_mode<synchronous>, transform_indices = @transform_12, window_bounds = array<i64: 1, 128>}, {pipeline_mode = #tpu.pipeline_mode<synchronous>, transform_indices = @transform_13, window_bounds = array<i64: 1, 128>}, {transform_indices = @transform_14, window_bounds = array<i64: 400, 128>}]} {
    %get3A = arith.constant 0 : index
    %get3A_0 = arith.constant 0 : index
    %get3A_1 = vector.load %arg3[%get3A, %get3A_0] : memref<400x1xf32, #tpu.memory_space<vmem>>, vector<400x1xf32>
    %get3A_2 = arith.constant 0 : index
    %get3A_3 = arith.constant 0 : index
    %get3A_4 = vector.load %arg4[%get3A_2, %get3A_3] : memref<400x1xf32, #tpu.memory_space<vmem>>, vector<400x1xf32>
    %add3A = arith.addf %get3A_1, %get3A_4 : vector<400x1xf32>
    %add3A_5 = arith.constant 9.99999971E-10 : f32
    %add3A_6 = vector.broadcast %add3A_5 : f32 to vector<400x1xf32>
    %add3A_7 = arith.addf %add3A, %add3A_6 : vector<400x1xf32>
    %get3A_8 = arith.constant 0 : index
    %get3A_9 = arith.constant 0 : index
    %get3A_10 = vector.load %arg1[%get3A_8, %get3A_9] : memref<400x128xf32, #tpu.memory_space<vmem>>, vector<400x128xf32>
    %get3A_11 = arith.constant 0 : index
    %get3A_12 = arith.constant 0 : index
    %get3A_13 = vector.load %arg2[%get3A_11, %get3A_12] : memref<400x128xf32, #tpu.memory_space<vmem>>, vector<400x128xf32>
    %add3A_14 = arith.addf %get3A_10, %get3A_13 : vector<400x128xf32>
    %div3A = vector.broadcast %add3A_7 : vector<400x1xf32> to vector<400x128xf32>
    %div3A_15 = arith.divf %add3A_14, %div3A : vector<400x128xf32>
    %get3A_16 = arith.constant 0 : index
    %get3A_17 = arith.constant 0 : index
    %get3A_18 = vector.load %arg5[%get3A_16, %get3A_17] : memref<400x128xf32, #tpu.memory_space<vmem>>, vector<400x128xf32>
    %get3A_19 = arith.constant 0 : index
    %get3A_20 = arith.constant 0 : index
    %get3A_21 = vector.load %arg6[%get3A_19, %get3A_20] : memref<128x128xf32, #tpu.memory_space<vmem>>, vector<128x128xf32>
    %dot_general3A = arith.constant dense<0.000000e+00> : vector<400x128xf32>
    %dot_general3A_22 = tpu.matmul %div3A_15, %get3A_21, %dot_general3A {dimension_numbers = #tpu.dot_dimension_numbers<[1], [0], [0], [1], [0, 0, 1, 1], [], []>, transpose_lhs_hint = false} : vector<400x128xf32>, vector<128x128xf32>, vector<400x128xf32> -> vector<400x128xf32>
    %get3A_23 = arith.constant 0 : index
    %get3A_24 = arith.constant 0 : index
    %get3A_25 = vector.load %arg7[%get3A_23, %get3A_24] : memref<128x128xf32, #tpu.memory_space<vmem>>, vector<128x128xf32>
    %dot_general3A_26 = arith.constant dense<0.000000e+00> : vector<400x128xf32>
    %dot_general3A_27 = tpu.matmul %get3A_18, %get3A_25, %dot_general3A_26 {dimension_numbers = #tpu.dot_dimension_numbers<[1], [0], [0], [1], [0, 0, 1, 1], [], []>, transpose_lhs_hint = false} : vector<400x128xf32>, vector<128x128xf32>, vector<400x128xf32> -> vector<400x128xf32>
    %add3A_28 = arith.addf %dot_general3A_22, %dot_general3A_27 : vector<400x128xf32>
    %get3A_29 = arith.constant 0 : index
    %get3A_30 = arith.constant 0 : index
    %get3A_31 = vector.load %arg12[%get3A_29, %get3A_30] : memref<1x128xf32, #tpu.memory_space<vmem>>, vector<1x128xf32>
    %add3A_32 = vector.broadcast %get3A_31 : vector<1x128xf32> to vector<400x128xf32>
    %add3A_33 = arith.addf %add3A_28, %add3A_32 : vector<400x128xf32>
    %logistic3A = arith.negf %add3A_33 : vector<400x128xf32>
    %logistic3A_34 = math.exp %logistic3A : vector<400x128xf32>
    %logistic3A_35 = arith.constant 1.000000e+00 : f32
    %logistic3A_36 = vector.broadcast %logistic3A_35 : f32 to vector<400x128xf32>
    %logistic3A_37 = arith.addf %logistic3A_36, %logistic3A_34 : vector<400x128xf32>
    %logistic3A_38 = arith.divf %logistic3A_36, %logistic3A_37 : vector<400x128xf32>
    %get3A_39 = arith.constant 0 : index
    %get3A_40 = arith.constant 0 : index
    %get3A_41 = vector.load %arg8[%get3A_39, %get3A_40] : memref<128x128xf32, #tpu.memory_space<vmem>>, vector<128x128xf32>
    %dot_general3A_42 = arith.constant dense<0.000000e+00> : vector<400x128xf32>
    %dot_general3A_43 = tpu.matmul %div3A_15, %get3A_41, %dot_general3A_42 {dimension_numbers = #tpu.dot_dimension_numbers<[1], [0], [0], [1], [0, 0, 1, 1], [], []>, transpose_lhs_hint = false} : vector<400x128xf32>, vector<128x128xf32>, vector<400x128xf32> -> vector<400x128xf32>
    %get3A_44 = arith.constant 0 : index
    %get3A_45 = arith.constant 0 : index
    %get3A_46 = vector.load %arg9[%get3A_44, %get3A_45] : memref<128x128xf32, #tpu.memory_space<vmem>>, vector<128x128xf32>
    %dot_general3A_47 = arith.constant dense<0.000000e+00> : vector<400x128xf32>
    %dot_general3A_48 = tpu.matmul %get3A_18, %get3A_46, %dot_general3A_47 {dimension_numbers = #tpu.dot_dimension_numbers<[1], [0], [0], [1], [0, 0, 1, 1], [], []>, transpose_lhs_hint = false} : vector<400x128xf32>, vector<128x128xf32>, vector<400x128xf32> -> vector<400x128xf32>
    %add3A_49 = arith.addf %dot_general3A_43, %dot_general3A_48 : vector<400x128xf32>
    %get3A_50 = arith.constant 0 : index
    %get3A_51 = arith.constant 0 : index
    %get3A_52 = vector.load %arg13[%get3A_50, %get3A_51] : memref<1x128xf32, #tpu.memory_space<vmem>>, vector<1x128xf32>
    %add3A_53 = vector.broadcast %get3A_52 : vector<1x128xf32> to vector<400x128xf32>
    %add3A_54 = arith.addf %add3A_49, %add3A_53 : vector<400x128xf32>
    %logistic3A_55 = arith.negf %add3A_54 : vector<400x128xf32>
    %logistic3A_56 = math.exp %logistic3A_55 : vector<400x128xf32>
    %logistic3A_57 = arith.constant 1.000000e+00 : f32
    %logistic3A_58 = vector.broadcast %logistic3A_57 : f32 to vector<400x128xf32>
    %logistic3A_59 = arith.addf %logistic3A_58, %logistic3A_56 : vector<400x128xf32>
    %logistic3A_60 = arith.divf %logistic3A_58, %logistic3A_59 : vector<400x128xf32>
    %get3A_61 = arith.constant 0 : index
    %get3A_62 = arith.constant 0 : index
    %get3A_63 = vector.load %arg10[%get3A_61, %get3A_62] : memref<128x128xf32, #tpu.memory_space<vmem>>, vector<128x128xf32>
    %dot_general3A_64 = arith.constant dense<0.000000e+00> : vector<400x128xf32>
    %dot_general3A_65 = tpu.matmul %div3A_15, %get3A_63, %dot_general3A_64 {dimension_numbers = #tpu.dot_dimension_numbers<[1], [0], [0], [1], [0, 0, 1, 1], [], []>, transpose_lhs_hint = false} : vector<400x128xf32>, vector<128x128xf32>, vector<400x128xf32> -> vector<400x128xf32>
    %mul3A = arith.mulf %logistic3A_60, %get3A_18 : vector<400x128xf32>
    %get3A_66 = arith.constant 0 : index
    %get3A_67 = arith.constant 0 : index
    %get3A_68 = vector.load %arg11[%get3A_66, %get3A_67] : memref<128x128xf32, #tpu.memory_space<vmem>>, vector<128x128xf32>
    %dot_general3A_69 = arith.constant dense<0.000000e+00> : vector<400x128xf32>
    %dot_general3A_70 = tpu.matmul %mul3A, %get3A_68, %dot_general3A_69 {dimension_numbers = #tpu.dot_dimension_numbers<[1], [0], [0], [1], [0, 0, 1, 1], [], []>, transpose_lhs_hint = false} : vector<400x128xf32>, vector<128x128xf32>, vector<400x128xf32> -> vector<400x128xf32>
    %add3A_71 = arith.addf %dot_general3A_65, %dot_general3A_70 : vector<400x128xf32>
    %get3A_72 = arith.constant 0 : index
    %get3A_73 = arith.constant 0 : index
    %get3A_74 = vector.load %arg14[%get3A_72, %get3A_73] : memref<1x128xf32, #tpu.memory_space<vmem>>, vector<1x128xf32>
    %add3A_75 = vector.broadcast %get3A_74 : vector<1x128xf32> to vector<400x128xf32>
    %add3A_76 = arith.addf %add3A_71, %add3A_75 : vector<400x128xf32>
    %tanh3A = math.tanh %add3A_76 : vector<400x128xf32>
    %sub3A = arith.constant 1.000000e+00 : f32
    %sub3A_77 = vector.broadcast %sub3A : f32 to vector<400x128xf32>
    %sub3A_78 = arith.subf %sub3A_77, %logistic3A_38 : vector<400x128xf32>
    %mul3A_79 = arith.mulf %sub3A_78, %get3A_18 : vector<400x128xf32>
    %mul3A_80 = arith.mulf %logistic3A_38, %tanh3A : vector<400x128xf32>
    %add3A_81 = arith.addf %mul3A_79, %mul3A_80 : vector<400x128xf32>
    %swap3A = arith.constant 0 : index
    %swap3A_82 = arith.constant 0 : index
    %swap3A_83 = vector.load %arg15[%swap3A, %swap3A_82] : memref<400x128xf32, #tpu.memory_space<vmem>>, vector<400x128xf32>
    tpu.vector_store %arg15[%swap3A, %swap3A_82], %add3A_81 {strides = array<i32>} : memref<400x128xf32, #tpu.memory_space<vmem>>, vector<400x128xf32>,
    return
  }
  func.func @transform_0(%arg0: i32) -> (i32, i32) {
    %c0_i32 = arith.constant 0 : i32
    %c0_i32_0 = arith.constant 0 : i32
    return %arg0, %c0_i32 : i32, i32
  }
  func.func @transform_1(%arg0: i32) -> (i32, i32) {
    %c0_i32 = arith.constant 0 : i32
    %c0_i32_0 = arith.constant 0 : i32
    return %arg0, %c0_i32 : i32, i32
  }
  func.func @transform_2(%arg0: i32) -> (i32, i32) {
    %c0_i32 = arith.constant 0 : i32
    %c0_i32_0 = arith.constant 0 : i32
    return %arg0, %c0_i32 : i32, i32
  }
  func.func @transform_3(%arg0: i32) -> (i32, i32) {
    %c0_i32 = arith.constant 0 : i32
    %c0_i32_0 = arith.constant 0 : i32
    return %arg0, %c0_i32 : i32, i32
  }
  func.func @transform_4(%arg0: i32) -> (i32, i32) {
    %c0_i32 = arith.constant 0 : i32
    %c0_i32_0 = arith.constant 0 : i32
    return %arg0, %c0_i32 : i32, i32
  }
  func.func @transform_5(%arg0: i32) -> (i32, i32) {
    %c0_i32 = arith.constant 0 : i32
    %c0_i32_0 = arith.constant 0 : i32
    %c0_i32_1 = arith.constant 0 : i32
    return %c0_i32, %c0_i32_0 : i32, i32
  }
  func.func @transform_6(%arg0: i32) -> (i32, i32) {
    %c0_i32 = arith.constant 0 : i32
    %c0_i32_0 = arith.constant 0 : i32
    %c0_i32_1 = arith.constant 0 : i32
    return %c0_i32, %c0_i32_0 : i32, i32
  }
  func.func @transform_7(%arg0: i32) -> (i32, i32) {
    %c0_i32 = arith.constant 0 : i32
    %c0_i32_0 = arith.constant 0 : i32
    %c0_i32_1 = arith.constant 0 : i32
    return %c0_i32, %c0_i32_0 : i32, i32
  }
  func.func @transform_8(%arg0: i32) -> (i32, i32) {
    %c0_i32 = arith.constant 0 : i32
    %c0_i32_0 = arith.constant 0 : i32
    %c0_i32_1 = arith.constant 0 : i32
    return %c0_i32, %c0_i32_0 : i32, i32
  }
  func.func @transform_9(%arg0: i32) -> (i32, i32) {
    %c0_i32 = arith.constant 0 : i32
    %c0_i32_0 = arith.constant 0 : i32
    %c0_i32_1 = arith.constant 0 : i32
    return %c0_i32, %c0_i32_0 : i32, i32
  }
  func.func @transform_10(%arg0: i32) -> (i32, i32) {
    %c0_i32 = arith.constant 0 : i32
    %c0_i32_0 = arith.constant 0 : i32
    %c0_i32_1 = arith.constant 0 : i32
    return %c0_i32, %c0_i32_0 : i32, i32
  }
  func.func @transform_11(%arg0: i32) -> (i32, i32) {
    %c0_i32 = arith.constant 0 : i32
    %c0_i32_0 = arith.constant 0 : i32
    %c0_i32_1 = arith.constant 0 : i32
    return %c0_i32, %c0_i32_0 : i32, i32
  }
  func.func @transform_12(%arg0: i32) -> (i32, i32) {
    %c0_i32 = arith.constant 0 : i32
    %c0_i32_0 = arith.constant 0 : i32
    %c0_i32_1 = arith.constant 0 : i32
    return %c0_i32, %c0_i32_0 : i32, i32
  }
  func.func @transform_13(%arg0: i32) -> (i32, i32) {
    %c0_i32 = arith.constant 0 : i32
    %c0_i32_0 = arith.constant 0 : i32
    %c0_i32_1 = arith.constant 0 : i32
    return %c0_i32, %c0_i32_0 : i32, i32
  }
  func.func @transform_14(%arg0: i32) -> (i32, i32) {
    %c0_i32 = arith.constant 0 : i32
    %c0_i32_0 = arith.constant 0 : i32
    return %arg0, %c0_i32 : i32, i32
  }
}

</mosaic_0001>

<sc_bundles>
// kernel: kernel.11.cloned.1.call-start
scs
__scs_entry_jumppad:
0x0: {  	(pc) =	sbr.rel $0x88, $3  }
0x1: {  	(tag) =	ssettag $0x0;
	lr =	simm.s32 $0x1  }
0x2: {  	[smem:$0x3F96] =	sst lr;
	_ =	strace $0xD0000000  }
0x3: {  	_ = 	snop  }
0x4: {  	_ = 	snop  }
0x5: {  	_ = 	snop  }
0x6: {  	_ = 	snop  }
0x7: {  	_ = 	snop  }
__scs_overlays_trampoline_lowered:
0x8: {  	[smem:$0x3FA5] =	sst s0  }
0x9: {  	[smem:$0x3FA6] =	sst s1  }
0xa: {  	[smem:$0x3FA7] =	sst s2  }
0xb: {  	[smem:$0x3FA8] =	sst s3  }
0xc: {  	[smem:$0x3FA9] =	sst s4  }
0xd: {  	[smem:$0x3FAA] =	sst s5  }
0xe: {  	[smem:$0x3FAB] =	sst s6  }
0xf: {  	[smem:$0x3FAC] =	sst s7  }
0x10: {  	[smem:$0x3FAD] =	sst s8  }
0x11: {  	[smem:$0x3FAE] =	sst s9;
	s0 =	simm.s32 @!p0 $0x0  }
0x12: {  	s1 =	sld [smem:$0x3F94];
	s0 =	simm.s32 @p0 $0x1  }
0x13: {  	[smem:$0x3FAF] =	sst s0;
	s0 =	simm.s32 @!p1 $0x0  }
0x14: {  	s2 =	sld [smem:$0x3F93];
	s0 =	simm.s32 @p1 $0x1  }
0x15: {  	[smem:$0x3FB0] =	sst s0;
	s0 =	simm.s32 @!p2 $0x0  }
0x16: {  	s3 =	sld [smem:$0x3FDB];
	s0 =	simm.s32 @p2 $0x1  }
0x17: {  	s4 =	simm.s32 $0x1BF5;
	[smem:$0x3FB2] =	sst s0  }
0x18: {  	s0 =	sld [smem:$0x3F95];
	_ =	swait.ge [sflag:s4], $0x0  }
0x19: {  	s7 =	sld [smem:$0x3F96]  }
0x1a: {  	s8 =	sadd.s32 $0xFFFFE003, lr  }
0x1b: {  	s9 =	sadd.s32 $0xFFFFFEF7, lr;
	s5 =	simm.s32 $0xFFFFFFFF;
	p2 =	slt.u32 s8, $0xFFFFF086  }
0x1c: {  	p1 =	slt.u32 s9, $0xF7A;
	s5 =	simm.s32 @!p2 $0x0  }
0x1d: {  	s5 =	simm.s32 @p1 $0x1;
	p0 =	seq.s32 s7, s2  }
0x1e: {  	s7 =	smul.u32 @!p0 $0xF7A, s2;
	p2 =	seq.s32 @!p0 s5, $0x0  }
0x1f: {  	s9 =	smul.u32 $0xF7A, s1;
	s8 =	simm.s32 @!p0 $0x1BF5;
	p2 =	por !p2, p0  }
0x20: {  	[sflag:s8] =	ssyncset.s32 @!p0 $0xFFFFF086;
	s6 =	sadd.s32 @!p0 s3, s7;
	s7 =	simm.s32 @!p0 $0x108  }
0x21: {  	s3 =	sadd.s32 s3, s9;
	s6 =	sadd.s32 @!p0 $0x88, s6;
	s7 =	simm.s32 @p2 $0x1082  }
0x22: {  	[simem:s7], [sflag:s8] =	dma.local @!p0 [hbm:s6], $0xF7A  }
0x23: {  	s9 =	sor.u32 $0xD0000000, s2;
	s6 =	simm.s32 $0x108;
	_ =	swait.ge @!p0 [sflag:s8], $0x0  }
0x24: {  	s3 =	sadd.s32 $0x88, s3;
	s6 =	simm.s32 @!p1 $0x1082;
	[sflag:s4] =	ssyncset.s32 $0xFFFFF086  }
0x25: {  	[simem:s6], [sflag:s4] =	dma.local [hbm:s3], $0xF7A  }
0x26: {  	[smem:$0x3F96] =	sst s1;
	(tag) =	ssettag s2;
	_ =	strace s9  }
0x27: {  	s1 =	sld [smem:$0x3FA6]  }
0x28: {  	s2 =	sld [smem:$0x3FA7]  }
0x29: {  	s4 =	sld [smem:$0x3FA9]  }
0x2a: {  	p0 =	seq.s32 s5, $0x0;
	s5 =	sld [smem:$0x3FAA]  }
0x2b: {  	s6 =	sld [smem:$0x3FAB]  }
0x2c: {  	s7 =	sld [smem:$0x3FAC]  }
0x2d: {  	s3 =	simm.s32 $0x108;
	s8 =	sld [smem:$0x3FAD]  }
0x2e: {  	s3 =	simm.s32 @!p0 $0x1082;
	s9 =	sld [smem:$0x3FAE]  }
0x2f: {  	lr =	sadd.s32 s0, s3;
	s0 =	sld [smem:$0x3FA5]  }
0x30: {  	s3 =	sld [smem:$0x3FA8]  }
0x31: {  	[smem:$0x3FB1] =	sst s10  }
0x32: {  	s10 =	sld [smem:$0x3FAF];
	_ =	sdelay $0x3  }
0x33: {  	p0 =	seq.s32 s10, $0x1;
	s10 =	sld [smem:$0x3FB1];
	_ =	sdelay $0x3  }
0x34: {  	[smem:$0x3FB1] =	sst s10  }
0x35: {  	s10 =	sld [smem:$0x3FB0];
	_ =	sdelay $0x3  }
0x36: {  	p1 =	seq.s32 s10, $0x1;
	s10 =	sld [smem:$0x3FB1];
	_ =	sdelay $0x3  }
0x37: {  	[smem:$0x3FB1] =	sst s10  }
0x38: {  	s10 =	sld [smem:$0x3FB2]  }
0x39: {  	_ = 	snop;
	(pc) =	sbr.ind lr, $3  }
0x3a: {  	_ = 	snop  }
0x3b: {  	_ = 	snop  }
0x3c: {  	p2 =	seq.s32 s10, $0x1;
	s10 =	sld [smem:$0x3FB1]  }
0x3d: {  	_ =	shalt  }
0x3e: {  	_ =	shalt  }
0x3f: {  	_ =	shalt  }
0x40: {  	_ =	shalt  }
0x41: {  	_ =	shalt  }
0x42: {  	_ =	shalt  }
0x43: {  	_ =	shalt  }
0x44: {  	_ =	shalt  }
0x45: {  	_ =	shalt  }
0x46: {  	_ =	shalt  }
0x47: {  	_ =	shalt  }
0x48: {  	_ =	shalt  }
0x49: {  	_ =	shalt  }
0x4a: {  	_ =	shalt  }
0x4b: {  	_ =	shalt  }
0x4c: {  	_ =	shalt  }
0x4d: {  	_ =	shalt  }
0x4e: {  	_ =	shalt  }
0x4f: {  	_ =	shalt  }
0x50: {  	_ =	shalt  }
0x51: {  	_ =	shalt  }
0x52: {  	_ =	shalt  }
0x53: {  	_ =	shalt  }
0x54: {  	_ =	shalt  }
0x55: {  	_ =	shalt  }
0x56: {  	_ =	shalt  }
0x57: {  	_ =	shalt  }
0x58: {  	_ =	shalt  }
0x59: {  	_ =	shalt  }
0x5a: {  	_ =	shalt  }
0x5b: {  	_ =	shalt  }
0x5c: {  	_ =	shalt  }
0x5d: {  	_ =	shalt  }
0x5e: {  	_ =	shalt  }
0x5f: {  	_ =	shalt  }
0x60: {  	_ =	shalt  }
0x61: {  	_ =	shalt  }
0x62: {  	_ =	shalt  }
0x63: {  	_ =	shalt  }
0x64: {  	_ =	shalt  }
0x65: {  	_ =	shalt  }
0x66: {  	_ =	shalt  }
0x67: {  	_ =	shalt  }
0x68: {  	_ =	shalt  }
0x69: {  	_ =	shalt  }
0x6a: {  	_ =	shalt  }
0x6b: {  	_ =	shalt  }
0x6c: {  	_ =	shalt  }
0x6d: {  	_ =	shalt  }
0x6e: {  	_ =	shalt  }
0x6f: {  	_ =	shalt  }
0x70: {  	_ =	shalt  }
0x71: {  	_ =	shalt  }
0x72: {  	_ =	shalt  }
0x73: {  	_ =	shalt  }
0x74: {  	_ =	shalt  }
0x75: {  	_ =	shalt  }
0x76: {  	_ =	shalt  }
0x77: {  	_ =	shalt  }
0x78: {  	_ =	shalt  }
0x79: {  	_ =	shalt  }
0x7a: {  	_ =	shalt  }
0x7b: {  	_ =	shalt  }
0x7c: {  	_ =	shalt  }
0x7d: {  	_ =	shalt  }
0x7e: {  	_ =	shalt  }
0x7f: {  	_ =	shalt  }
0x80: {  	_ =	shalt  }
0x81: {  	_ =	shalt  }
0x82: {  	_ =	shalt  }
0x83: {  	_ =	shalt  }
0x84: {  	_ =	shalt  }
0x85: {  	_ =	shalt  }
0x86: {  	_ =	shalt  }
0x87: {  	_ =	shalt  }
.Lfunc_end0:
.L_simem_size_0:
called_computation.1_lowered:
.L_overlay_start_0:
0x88: {  	s2 =	sld [smem:$0x3FD9]  }
0x89: {  	s3 =	sld [smem:$0x3FFE];
	_ =	sdelay $0x1  }
0x8a: {  	s1 =	srdreg.scid  }
0x8b: {  	s0 =	sand.u32 $0x1, s1  }
0x8c: {  	s17 =	sshll.u32 s0, $0xA;
	s2 =	sadd.s32 s3, s2  }
0x8d: {  	s2 =	sadd.s32 s2, s17  }
0x8e: {  	[smem:$0x3FBD] =	sst s2  }
0x8f: {  	_ = 	snop  }
0x90: {  	s2 =	sld [smem:$0x3FD0];
	(tm) =	ssettm $0x1  }
0x91: {  	s18 =	sld [smem:$0x3FFB];
	_ =	sdelay $0x3  }
0x92: {  	_ =	strace s18  }
0x93: {  	s3 =	sld [smem:$0x3FFC];
	_ =	sdelay $0x3  }
0x94: {  	_ =	strace s3  }
0x95: {  	s3 =	sld [smem:$0x3FFD];
	_ =	sdelay $0x3  }
0x96: {  	_ =	strace s3  }
0x97: {  	_ =	strace $0x8FFFFFFF  }
0x98: {  	s19 =	sld [smem:$0x3FDB];
	_ =	sdelay $0x1  }
0x99: {  	s4 =	simm.s32 $_scs_section_size  }
0x9a: {  	s5 =	simm.s32 $_size__tile_overlayer_lowered;
	s6 =	simm.s32 $_tile_overlayer_lowered  }
0x9b: {  	s22 =	simm.s32 $0x1BFF;
	s21 =	sshll.u32 s6, $0x1;
	s3 =	sadd.s32 s4, s19  }
0x9c: {  	s7 =	simm.s32 $0x0;
	s20 =	sshll.u32 s5, $0x1;
	s5 =	sadd.s32 s21, s3  }
0x9d: {  	[timem:s7], [sflag:s22] =	dma.local [hbm:s5], s20  }
0x9e: {  	_ =	swait.ge [sflag:s22], s20  }
0x9f: {  	s4 =	ssub.s32 $0x0, s20;
	[sflag:s22] =	ssyncset.done $0x0  }
0xa0: {  	[sflag:s22] =	ssyncadd.s32 s4;
	_ =	sdelay $0x1  }
0xa1: {  	s23 =	simm.s32 $0x1B8B  }
0xa2: {  	_ =	swait.ge [sflag:s23], $0x1  }
0xa3: {  	[sflag:s23] =	ssyncset.done $0x0  }
0xa4: {  	s25 =	simm.s32 $0x1B8E;
	s24 =	sld [smem:$0x3FFE];
	[sflag:s23] =	ssyncadd.s32 $0xFFFFFFFF  }
0xa5: {  	s26 =	simm.s32 $execute0_lowered;
	[smem:$0x3FD2] =	sst s25  }
0xa6: {  	s5 =	sshll.u32 s26, $0x1;
	_ =	strace $0x80000049;
	[dreg:$0x1] =	wrdreg $0xFFFFFFFF  }
0xa7: {  	s28 =	simm.s32 $_size_execute0_lowered;
	s3 =	sadd.s32 s3, s5;
	[dreg:$0x0] =	wrdreg $0x0  }
0xa8: {  	s5 =	sshll.u32 s28, $0x1;
	[dreg:$0x2] =	wrdreg s3  }
0xa9: {  	[dreg:$0x3] =	wrdreg s5  }
0xaa: {  	[dreg:$0x4] =	wrdreg $0xC0  }
0xab: {  	_ =	task [dreg:s7], $0x5FFFF  }
0xac: {  	[dreg:$0x1] =	wrdreg $0xFFFFFFFF  }
0xad: {  	[dreg:$0x0] =	wrdreg $0x60  }
0xae: {  	[dreg:$0x2] =	wrdreg s24  }
0xaf: {  	[dreg:$0x3] =	wrdreg s2  }
0xb0: {  	[dreg:$0x4] =	wrdreg $0x52000  }
0xb1: {  	[dreg:$0x5] =	wrdreg $0x18A800  }
0xb2: {  	[dreg:$0x6] =	wrdreg $0x9  }
0xb3: {  	_ =	task.clear_ibuf [dreg:s7], $0x7FFFF;
	_ =	strace $0x90000049  }
0xb4: {  	s29 =	simm.s32 $0x9;
	_ =	strace $0x8000004B  }
0xb5: {  	_ =	swait.ge [sflag:s29], $0x1  }
0xb6: {  	[sflag:s29] =	ssyncadd.s32 $0xFFFFFFFF  }
0xb7: {  	_ =	strace $0x9000004B  }
0xb8: {  	_ =	sfence  }
0xb9: {  	s30 =	sld [smem:$0x0];
	_ =	sdelay $0x2  }
0xba: {  	s31 =	sshll.u32 s1, $0xD;
	s1 =	sshrl.u32 s1, $0x2  }
0xbb: {  	s3 =	sand.u32 $0x4000, s31;
	s1 =	sadd.s32 s1, s30  }
0xbc: {  	s0 =	sor.u32 s3, s0;
	s1 =	sshll.u32 s1, $0x11  }
0xbd: {  	s0 =	sor.u32 s1, s0  }
0xbe: {  	s0 =	sadd.s32 $0x8F2B, s0  }
0xbf: {  	[sflag:s0] =	ssyncadd.remote.s32 $0x1  }
0xc0: {  	_ =	sfence.sel $0xFFFF  }
0xc1: {  	[dreg:$0x0] =	wrdreg $0xFFFFFFFF;
	(pc) =	sbr.abs _section_cstart, $3  }
0xc2: {  	[dreg:$0x1] =	wrdreg $0xFFFFFFFF  }
0xc3: {  	_ =	task.clear_ibuf [dreg:s7], $0x2FFFF;
	_ =	strace $0x9FFFFFFF  }
0xc4: {  	(tm) =	ssettm $0x7FFFFFFF  }
0xc5: {  	_ =	shalt  }
tec
execute0_lowered:
.L_overlay_start_1:
0x0: {  	(tag) =	ssettag $0x1  }
0x1: {  	s0 =	rddreg [dreg:$0x0]  }
0x2: {  	s5 =	rddreg [dreg:$0x1]  }
0x3: {  	s1 =	rddreg [dreg:$0x2]  }
0x4: {  	s2 =	rddreg [dreg:$0x3]  }
0x5: {  	s3 =	simm.s32 $0x0;
	s4 =	stileid.u32;
	s7 =	srdreg.scid  }
0x6: {  	s28 =	simm.s32 $0x4980;
	s29 =	simm.s32 $0x4100;
	s30 =	simm.s32 $0x10  }
0x7: {  	s31 =	simm.s32 $0x4900;
	[smem:$0x7FF] =	sst s3;
	s6 =	sadd.s32 $0x13A8000, s0  }
0x8: {  	s8 =	smul.u32 $0x2700, s4;
	s18 =	sand.u32 $0x1, s7;
	s25 =	sshll.u32 s4, $0x1  }
0x9: {  	s20 =	sadd.s32 $0x2000, s0;
	s21 =	sadd.s32 $0xBE00, s0;
	s26 =	sadd.s32 $0x15C00, s0  }
0xa: {  	s11 =	sadd.s32 $0x16200, s0;
	s14 =	sadd.s32 $0x2700, s2;
	s24 =	smul.u32 $0x4E200, s4  }
0xb: {  	p1 =	sne.s32 s4, $0xF;
	_ =	strace $0x8000004A;
	[dreg:$0x5] =	wrdreg s26  }
0xc: {  	s7 =	sor.u32 s18, s25;
	s9 =	ssub.s32 $0x2, s18;
	[dreg:$0x6] =	wrdreg s11  }
0xd: {  	[dreg:$0x7] =	wrdreg s14;
	p0 =	seq.s32 s18, $0x1;
	s23 =	smul.u32 $0x2710, s18  }
0xe: {  	s14 =	sadd.s32 $0x27000, s5;
	s25 =	smul.u32 $0x27100, s18;
	s15 =	sadd.s32 s8, s0  }
0xf: {  	s10 =	smul.u32 $0x2710, s7;
	s12 =	sshrl.u32 s9, $0x1;
	s7 =	sadd.s32 $0x138000, s1  }
0x10: {  	p3 =	seq.s32 @p0 s4, $0x0;
	p4 =	seq.s32 @!p0 s4, $0x0;
	s17 =	ssub.s32 s9, s12  }
0x11: {  	s12 =	smul.u32 $0x4E000, s4;
	s15 =	sadd.s32 $0x16800, s15;
	p2 =	por p3, !p0  }
0x12: {  	p5 =	por p4, p0;
	s13 =	sadd.s32 $0x2700, s10;
	s17 =	smax.u32 s17, $0x1  }
0x13: {  	p6 =	sne.s32 @!p2 s4, $0xF;
	p5 =	sne.s32 @!p5 s4, $0xF;
	p2 =	por !p3, !p0  }
0x14: {  	s11 =	sshrl.u32 s13, $0x3;
	s10 =	sshll.u32 s13, $0x4;
	s12 =	sshrl.u32 s12, $0x2  }
0x15: {  	s13 =	sadd.s32 s5, s8;
	p3 =	por @p0 p6, p3;
	p5 =	por @!p0 p5, p4  }
0x16: {  	p4 =	por !p4, p0;
	s16 =	sadd.s32 s21, s11;
	s19 =	sadd.s32 s6, s10  }
0x17: {  	s22 =	sadd.s32 s20, s11;
	s12 =	sadd.s32 s12, s1;
	[dreg:$0x8] =	wrdreg s16  }
0x18: {  	p3 =	por p3, !p0;
	[dreg:$0x9] =	wrdreg s19;
	s19 =	smul.u32 $0x9C0, s4  }
0x19: {  	p5 =	por p5, p0;
	[dreg:$0xa] =	wrdreg s22;
	s22 =	smul.u32 $0x4E20, s4  }
0x1a: {  	s16 =	sadd.s32 $0x3D800, s0;
	s0 =	sadd.s32 s24, s6;
	s24 =	simm.s32 $0x4080  }
0x1b: {  	s5 =	sadd.s32 s23, s22;
	s26 =	sshrl.u32 s19, $0x2;
	s19 =	sadd.s32 s25, s0  }
0x1c: {  	s22 =	simm.s32 $0x4A00;
	s23 =	simm.s32 $0x1;
	s25 =	simm.s32 $0x80  }
0x1d: {  	s0 =	simm.s32 $0x0;
	s5 =	sshrl.u32 s5, $0x3;
	s18 =	sadd.s32 s26, s2  }
0x1e: {  	v0 =	vimm.f32 $0.0e+00;
	s26 =	simm.s32 $0x4000;
	s20 =	sadd.s32 s5, s20;
	s21 =	sadd.s32 s5, s21  }
.LBB2_1:
0x1f: {  	s5 =	simm.s32 $0x0;
	s6 =	simm.s32 $0x200  }
.LBB2_2:
0x20: {  	p6 =	sne.s32 s6, $0x1E00;
	[tilespmem:s5+$0x4A70] =	vst v0  }
0x21: {  	[tilespmem:s5+$0x4A00] =	vst v0  }
0x22: {  	[tilespmem:s5+$0x4A10] =	vst v0  }
.Ltmp0:
0x23: {  	[tilespmem:s5+$0x4A20] =	vst v0;
	(pc) =	sbr.rel @p6 .LBB2_2-.Ltmp0, $4  }
0x24: {  	[tilespmem:s5+$0x4A30] =	vst v0  }
0x25: {  	[tilespmem:s5+$0x4A40] =	vst v0  }
0x26: {  	[tilespmem:s5+$0x4A50] =	vst v0  }
0x27: {  	[tilespmem:s5+$0x4A60] =	vst v0;
	s5 =	sshra.s32 s6, $0x2;
	s6 =	sadd.s32 $0x200, s6  }
0x28: {  	[tilespmem:s5+$0x4A70] =	vst v0  }
0x29: {  	[tilespmem:s5+$0x4A00] =	vst v0  }
0x2a: {  	[tilespmem:s5+$0x4A10] =	vst v0  }
0x2b: {  	[tilespmem:s5+$0x4A20] =	vst v0  }
0x2c: {  	[tilespmem:s5+$0x4A30] =	vst v0  }
0x2d: {  	[tilespmem:s5+$0x4A40] =	vst v0  }
0x2e: {  	[tilespmem:s5+$0x4A50] =	vst v0  }
0x2f: {  	[tilespmem:s5+$0x4A60] =	vst v0  }
0x30: {  	[spmem:s12] =	stream.linear.scatter [tilespmem:s22], [sflag:$0x1], $0x800, $0x38;
	[tilespmem:$0x18CF8] =	vst v63  }
0x31: {  	_ =	swait.ge [sflag:s23], $0x800  }
0x32: {  	[sflag:s23] =	ssyncset.done $0x0  }
0x33: {  	s11 =	sadd.s32 $0x0, s18;
	[sflag:s23] =	ssyncadd.s32 $0xFFFFF800  }
0x34: {  	[spmem:s11] =	stream.linear.scatter [tilespmem:s22], [sflag:$0x1], $0x10, $0x38;
	[tilespmem:$0x18CF8] =	vst v63  }
0x35: {  	_ =	swait.ge [sflag:s23], $0x10  }
0x36: {  	s5 =	simm.s32 $0x40;
	s6 =	smov.u32 s12;
	[sflag:s23] =	ssyncset.done $0x0  }
.LBB2_4:
0x37: {  	p6 =	sne.s32 s5, $0x980;
	[sflag:s23] =	ssyncadd.s32 $0xFFFFFFF0;
	s6 =	sadd.s32 $0x800, s6  }
0x38: {  	[spmem:s6] =	stream.linear.scatter [tilespmem:s22], [sflag:$0x1], $0x800, $0x38;
	[tilespmem:$0x18CF8] =	vst v63  }
0x39: {  	s8 =	smov.u32 s5;
	s5 =	sadd.s32 $0x40, s5;
	_ =	swait.ge [sflag:s23], $0x800  }
.Ltmp1:
0x3a: {  	s8 =	sshra.s32 s8, $0x2;
	[sflag:s23] =	ssyncset.done $0x0;
	(pc) =	sbr.rel @p6 .LBB2_4-.Ltmp1, $4  }
0x3b: {  	s8 =	sadd.s32 s8, s18;
	[sflag:s23] =	ssyncadd.s32 $0xFFFFF800  }
0x3c: {  	[spmem:s8] =	stream.linear.scatter [tilespmem:s22], [sflag:$0x1], $0x10, $0x38;
	[tilespmem:$0x18CF8] =	vst v63  }
0x3d: {  	_ =	swait.ge [sflag:s23], $0x10  }
0x3e: {  	[sflag:s23] =	ssyncset.done $0x0  }
0x3f: {  	[sflag:s23] =	ssyncadd.s32 $0xFFFFFFF0;
	s5 =	simm.s32 @!p1 $0x4A00;
	s6 =	simm.s32 @!p1 $0x1  }
0x40: {  	[spmem:s7] =	stream.linear.scatter @!p1 [tilespmem:s5], [sflag:$0x1], $0x800, $0x38;
	[tilespmem:$0x18CF8] =	vst v63  }
0x41: {  	_ =	swait.ge @!p1 [sflag:s6], $0x800  }
0x42: {  	[sflag:s6] =	ssyncset.done @!p1 $0x0  }
0x43: {  	s8 =	rddreg [dreg:$0x7];
	[sflag:s6] =	ssyncadd.s32 @!p1 $0xFFFFF800  }
0x44: {  	[spmem:s8] =	stream.linear.scatter @!p1 [tilespmem:s5], [sflag:$0x1], $0x10, $0x38;
	[tilespmem:$0x18CF8] =	vst v63  }
0x45: {  	_ =	swait.ge @!p1 [sflag:s6], $0x10  }
0x46: {  	[sflag:s6] =	ssyncset.done @!p1 $0x0  }
0x47: {  	[sflag:s6] =	ssyncadd.s32 @!p1 $0xFFFFFFF0  }
0x48: {  	s10 =	sadd.s32 $0x0, s21;
	[bflag:$0x0] =	sbarrier.arrive $0xFFFF  }
0x49: {  	[tilespmem:s24], [sflag:$0x1] =	stream.linear.gather [hbm4b:s10+s3], $0x80, $0x38;
	[tilespmem:$0x18CF8] =	vst v63  }
0x4a: {  	_ =	swait.ge [sflag:s23], $0x80  }
0x4b: {  	[sflag:s23] =	ssyncset.done $0x0  }
0x4c: {  	[sflag:s23] =	ssyncadd.s32 $0xFFFFFF80  }
0x4d: {  	[tilespmem:s3], [sflag:$0x1] =	stream.linear.gather [hbm4b:s19+s3], $0x4000, $0x38;
	[tilespmem:$0x18CF8] =	vst v63  }
0x4e: {  	_ =	swait.ge [sflag:s23], $0x4000  }
0x4f: {  	[sflag:s23] =	ssyncset.done $0x0  }
0x50: {  	[sflag:s23] =	ssyncadd.s32 $0xFFFFC000  }
0x51: {  	[spmem:s1] =	stream.indirect.scatter.add.f32 [tilespmem:s3], [sflag:$0x1], $0x80, s24, s25, $0xb8;
	[tilespmem:$0x18CF8] =	vst v63  }
0x52: {  	_ =	swait.ge [sflag:s23], $0x4000  }
0x53: {  	[sflag:s23] =	ssyncset.done $0x0  }
0x54: {  	s11 =	sadd.s32 $0x0, s20;
	[sflag:s23] =	ssyncadd.s32 $0xFFFFC000  }
0x55: {  	[tilespmem:s26], [sflag:$0x1] =	stream.linear.gather [hbm4b:s11+s3], $0x80, $0x38;
	[tilespmem:$0x18CF8] =	vst v63  }
0x56: {  	_ =	swait.ge [sflag:s23], $0x80  }
0x57: {  	[sflag:s23] =	ssyncset.done $0x0  }
0x58: {  	[sflag:s23] =	ssyncadd.s32 $0xFFFFFF80  }
0x59: {  	[spmem:s2] =	stream.indirect.scatter.add.f32 [tilespmem:s26], [sflag:$0x1], $0x1, s24, s25, $0xb8;
	[tilespmem:$0x18CF8] =	vst v63  }
0x5a: {  	s5 =	simm.s32 $0x10;
	_ =	swait.ge [sflag:s23], $0x80  }
0x5b: {  	s8 =	simm.s32 $0x20;
	s6 =	sadd.s32 $0x800, s19;
	[sflag:s23] =	ssyncset.done $0x0  }
.LBB2_6:
0x5c: {  	s9 =	sadd.s32 s5, s21  }
0x5d: {  	[sflag:s23] =	ssyncadd.s32 $0xFFFFFF80;
	s10 =	smov.u32 s8;
	s11 =	sadd.s32 $0x10, s8  }
0x5e: {  	[tilespmem:s24], [sflag:$0x1] =	stream.linear.gather [hbm4b:s9+s3], $0x80, $0x38;
	[tilespmem:$0x18CF8] =	vst v63  }
0x5f: {  	p6 =	sne.s32 s8, $0x4D0;
	_ =	swait.ge [sflag:s23], $0x80  }
0x60: {  	[sflag:s23] =	ssyncset.done $0x0  }
0x61: {  	[sflag:s23] =	ssyncadd.s32 $0xFFFFFF80  }
0x62: {  	[tilespmem:s3], [sflag:$0x1] =	stream.linear.gather [hbm4b:s6+s3], $0x4000, $0x38;
	[tilespmem:$0x18CF8] =	vst v63  }
0x63: {  	_ =	swait.ge [sflag:s23], $0x4000  }
0x64: {  	[sflag:s23] =	ssyncset.done $0x0  }
0x65: {  	[sflag:s23] =	ssyncadd.s32 $0xFFFFC000  }
0x66: {  	[spmem:s1] =	stream.indirect.scatter.add.f32 [tilespmem:s3], [sflag:$0x1], $0x80, s24, s25, $0xb8;
	[tilespmem:$0x18CF8] =	vst v63  }
0x67: {  	_ =	swait.ge [sflag:s23], $0x4000  }
0x68: {  	[sflag:s23] =	ssyncset.done $0x0  }
0x69: {  	s8 =	sadd.s32 s5, s20;
	s5 =	smov.u32 s10;
	[sflag:s23] =	ssyncadd.s32 $0xFFFFC000  }
0x6a: {  	[tilespmem:s26], [sflag:$0x1] =	stream.linear.gather [hbm4b:s8+s3], $0x80, $0x38;
	[tilespmem:$0x18CF8] =	vst v63  }
0x6b: {  	_ =	swait.ge [sflag:s23], $0x80  }
.Ltmp2:
0x6c: {  	[sflag:s23] =	ssyncset.done $0x0;
	(pc) =	sbr.rel @p6 .LBB2_6-.Ltmp2, $4  }
0x6d: {  	[sflag:s23] =	ssyncadd.s32 $0xFFFFFF80  }
0x6e: {  	[spmem:s2] =	stream.indirect.scatter.add.f32 [tilespmem:s26], [sflag:$0x1], $0x1, s24, s25, $0xb8;
	[tilespmem:$0x18CF8] =	vst v63  }
0x6f: {  	_ =	swait.ge [sflag:s23], $0x80  }
0x70: {  	s6 =	sadd.s32 $0x800, s6;
	s8 =	smov.u32 s11;
	[sflag:s23] =	ssyncset.done $0x0  }
0x71: {  	s8 =	sadd.s32 s5, s21;
	[sflag:s23] =	ssyncadd.s32 $0xFFFFFF80  }
0x72: {  	[tilespmem:s24], [sflag:$0x1] =	stream.linear.gather [hbm4b:s8+s3], $0x80, $0x38;
	[tilespmem:$0x18CF8] =	vst v63  }
0x73: {  	_ =	swait.ge [sflag:s23], $0x80  }
0x74: {  	[sflag:s23] =	ssyncset.done $0x0  }
0x75: {  	[sflag:s23] =	ssyncadd.s32 $0xFFFFFF80  }
0x76: {  	[tilespmem:s3], [sflag:$0x1] =	stream.linear.gather [hbm4b:s6+s3], $0x4000, $0x38;
	[tilespmem:$0x18CF8] =	vst v63  }
0x77: {  	_ =	swait.ge [sflag:s23], $0x4000  }
0x78: {  	[sflag:s23] =	ssyncset.done $0x0  }
0x79: {  	[sflag:s23] =	ssyncadd.s32 $0xFFFFC000  }
0x7a: {  	[spmem:s1] =	stream.indirect.scatter.add.f32 [tilespmem:s3], [sflag:$0x1], $0x80, s24, s25, $0xb8;
	[tilespmem:$0x18CF8] =	vst v63  }
0x7b: {  	_ =	swait.ge [sflag:s23], $0x4000  }
0x7c: {  	[sflag:s23] =	ssyncset.done $0x0  }
0x7d: {  	s8 =	sadd.s32 s5, s20;
	[sflag:s23] =	ssyncadd.s32 $0xFFFFC000  }
0x7e: {  	[tilespmem:s26], [sflag:$0x1] =	stream.linear.gather [hbm4b:s8+s3], $0x80, $0x38;
	[tilespmem:$0x18CF8] =	vst v63  }
0x7f: {  	_ =	swait.ge [sflag:s23], $0x80  }
0x80: {  	[sflag:s23] =	ssyncset.done $0x0  }
0x81: {  	[sflag:s23] =	ssyncadd.s32 $0xFFFFFF80  }
0x82: {  	[spmem:s2] =	stream.indirect.scatter.add.f32 [tilespmem:s26], [sflag:$0x1], $0x1, s24, s25, $0xb8;
	[tilespmem:$0x18CF8] =	vst v63  }
0x83: {  	_ =	swait.ge [sflag:s23], $0x80  }
0x84: {  	[sflag:s23] =	ssyncset.done $0x0  }
0x85: {  	s9 =	rddreg [dreg:$0x8];
	[sflag:s23] =	ssyncadd.s32 $0xFFFFFF80  }
0x86: {  	[tilespmem:s28], [sflag:$0x1] =	stream.linear.gather [hbm4b:s9+s3], $0x10, $0x38;
	[tilespmem:$0x18CF8] =	vst v63  }
0x87: {  	_ =	swait.ge [sflag:s23], $0x10  }
0x88: {  	[sflag:s23] =	ssyncset.done $0x0  }
0x89: {  	s10 =	rddreg [dreg:$0x9];
	[sflag:s23] =	ssyncadd.s32 $0xFFFFFFF0  }
0x8a: {  	[tilespmem:s29], [sflag:$0x1] =	stream.linear.gather [hbm4b:s10+s3], $0x800, $0x38;
	[tilespmem:$0x18CF8] =	vst v63  }
0x8b: {  	_ =	swait.ge [sflag:s23], $0x800  }
0x8c: {  	[sflag:s23] =	ssyncset.done $0x0  }
0x8d: {  	[sflag:s23] =	ssyncadd.s32 $0xFFFFF800  }
0x8e: {  	[spmem:s1] =	stream.indirect.scatter.add.f32 [tilespmem:s29], [sflag:$0x1], $0x80, s28, s30, $0xb8;
	[tilespmem:$0x18CF8] =	vst v63  }
0x8f: {  	_ =	swait.ge [sflag:s23], $0x800  }
0x90: {  	[sflag:s23] =	ssyncset.done $0x0  }
0x91: {  	s11 =	rddreg [dreg:$0xa];
	[sflag:s23] =	ssyncadd.s32 $0xFFFFF800  }
0x92: {  	[tilespmem:s31], [sflag:$0x1] =	stream.linear.gather [hbm4b:s11+s3], $0x10, $0x38;
	[tilespmem:$0x18CF8] =	vst v63  }
0x93: {  	_ =	swait.ge [sflag:s23], $0x10  }
0x94: {  	[sflag:s23] =	ssyncset.done $0x0  }
0x95: {  	[sflag:s23] =	ssyncadd.s32 $0xFFFFFFF0  }
0x96: {  	[spmem:s2] =	stream.indirect.scatter.add.f32 [tilespmem:s31], [sflag:$0x1], $0x1, s28, s30, $0xb8;
	[tilespmem:$0x18CF8] =	vst v63  }
0x97: {  	_ =	swait.ge [sflag:s23], $0x10  }
0x98: {  	[sflag:s23] =	ssyncset.done $0x0  }
0x99: {  	s5 =	sshll.u32 @p0 s4, $0x6;
	[sflag:s23] =	ssyncadd.s32 $0xFFFFFFF0  }
0x9a: {  	s5 =	sor.u32 @p0 $0x1C01, s5;
	s6 =	sshrl.u32 @p0 s12, $0x3;
	[bflag:$0x0] =	sbarrier.arrive $0xFFFF  }
0x9b: {  	[hbm:s15], [sflag:s5] =	dma.local @p0 [spmem:s6], $0x2700  }
0x9c: {  	s6 =	simm.s32 @p0 $0x1  }
0x9d: {  	_ =	swait.ge @p0 [sflag:s6], $0x2700  }
0x9e: {  	[sflag:s6] =	ssyncset.done @p0 $0x0  }
0x9f: {  	s8 =	rddreg [dreg:$0x6];
	[sflag:s6] =	ssyncadd.s32 @p0 $0xFFFFD900;
	s6 =	sshrl.u32 @!p2 s2, $0x3  }
0xa0: {  	[hbm:s8], [sflag:s5] =	dma.local @!p2 [spmem:s6], $0x4F0  }
0xa1: {  	s6 =	simm.s32 @!p2 $0x1  }
0xa2: {  	_ =	swait.ge @!p2 [sflag:s6], $0x4F0  }
0xa3: {  	[sflag:s6] =	ssyncset.done @!p2 $0x0  }
0xa4: {  	[sflag:s6] =	ssyncadd.s32 @!p2 $0xFFFFFB10;
	s6 =	sshrl.u32 @!p3 s7, $0x3  }
0xa5: {  	[hbm:s16], [sflag:s5] =	dma.local @!p3 [spmem:s6], $0x100  }
0xa6: {  	s5 =	simm.s32 @!p3 $0x1  }
0xa7: {  	_ =	swait.ge @!p3 [sflag:s5], $0x100  }
0xa8: {  	s6 =	sshll.u32 @!p0 s4, $0x6;
	[sflag:s5] =	ssyncset.done @!p3 $0x0  }
0xa9: {  	[sflag:s5] =	ssyncadd.s32 @!p3 $0xFFFFFF00;
	s5 =	sor.u32 @!p0 $0x1C01, s6;
	s6 =	sshrl.u32 @!p0 s12, $0x3  }
0xaa: {  	[hbm:s13], [sflag:s5] =	dma.local @!p0 [spmem:s6], $0x2700  }
0xab: {  	s6 =	simm.s32 @!p0 $0x1  }
0xac: {  	_ =	swait.ge @!p0 [sflag:s6], $0x2700  }
0xad: {  	[sflag:s6] =	ssyncset.done @!p0 $0x0  }
0xae: {  	s8 =	rddreg [dreg:$0x5];
	[sflag:s6] =	ssyncadd.s32 @!p0 $0xFFFFD900;
	s6 =	sshrl.u32 @!p4 s2, $0x3  }
0xaf: {  	[hbm:s8], [sflag:s5] =	dma.local @!p4 [spmem:s6], $0x4F0  }
0xb0: {  	s6 =	simm.s32 @!p4 $0x1  }
0xb1: {  	_ =	swait.ge @!p4 [sflag:s6], $0x4F0  }
0xb2: {  	s0 =	sadd.s32 $0x1, s0;
	[sflag:s6] =	ssyncset.done @!p4 $0x0  }
0xb3: {  	p6 =	sne.s32 s0, s17;
	[sflag:s6] =	ssyncadd.s32 @!p4 $0xFFFFFB10;
	s6 =	sshrl.u32 @!p5 s7, $0x3  }
0xb4: {  	[hbm:s14], [sflag:s5] =	dma.local @!p5 [spmem:s6], $0x100  }
.Ltmp3:
0xb5: {  	_ = 	snop;
	(pc) =	sbr.rel @p6 .LBB2_1-.Ltmp3, $4  }
0xb6: {  	s5 =	simm.s32 @!p5 $0x1  }
0xb7: {  	_ =	swait.ge @!p5 [sflag:s5], $0x100  }
0xb8: {  	[sflag:s5] =	ssyncset.done @!p5 $0x0  }
0xb9: {  	[sflag:s5] =	ssyncadd.s32 @!p5 $0xFFFFFF00  }
0xba: {  	_ =	sfence.sel $0x180000  }
0xbb: {  	[bflag:$0x0] =	sbarrier.arrive $0xFFFF  }
0xbc: {  	_ =	strace $0x9000004A  }
0xbd: {  	[bflag:$0x2] =	sbarrier.arrive $0xFFFF  }
0xbe: {  	p0 =	sne.s32 s4, $0x0;
	s0 =	rddreg [dreg:$0x4]  }
0xbf: {  	s0 =	sadd.s32 @!p0 $0x100000, s0  }
0xc0: {  	[sflag:s0] =	ssyncadd.tile.s32 @!p0 $0x1;
	_ =	shalt  }
.Lfunc_end2:
_tile_overlayer_lowered:
.L_overlay_start_2:
0xc1: {  	(tag) =	ssettag $0x2  }
0xc2: {  	s0 =	rddreg [dreg:$0x0];
	s2 =	stileid.u32  }
0xc3: {  	s1 =	rddreg [dreg:$0x1];
	p0 =	sne.s32 s2, $0x0  }
0xc4: {  	s3 =	rddreg [dreg:$0x2];
	[bflag:$0x3] =	sbarrier.arrive $0xFFFF;
	s2 =	simm.s32 @!p0 $0x1C01  }
0xc5: {  	[timem:s3], [sflag:s2] =	dma.local @!p0 [hbm:s0], s1  }
0xc6: {  	s0 =	simm.s32 @!p0 $0x1  }
0xc7: {  	_ =	swait.ge @!p0 [sflag:s0], s1  }
0xc8: {  	s1 =	ssub.s32 @!p0 $0x0, s1;
	[sflag:s0] =	ssyncset.done @!p0 $0x0  }
0xc9: {  	[sflag:s0] =	ssyncadd.s32 @!p0 s1  }
0xca: {  	[bflag:$0x3] =	sbarrier.arrive $0xFFFF  }
0xcb: {  	_ =	shalt  }

// kernel: kernel.8.cloned.1.call-start
scs
__scs_entry_jumppad:
0x0: {  	(pc) =	sbr.rel $0x88, $3  }
0x1: {  	(tag) =	ssettag $0x0;
	lr =	simm.s32 $0x1  }
0x2: {  	[smem:$0x3F96] =	sst lr;
	_ =	strace $0xD0000000  }
0x3: {  	_ = 	snop  }
0x4: {  	_ = 	snop  }
0x5: {  	_ = 	snop  }
0x6: {  	_ = 	snop  }
0x7: {  	_ = 	snop  }
__scs_overlays_trampoline_lowered:
0x8: {  	[smem:$0x3FA5] =	sst s0  }
0x9: {  	[smem:$0x3FA6] =	sst s1  }
0xa: {  	[smem:$0x3FA7] =	sst s2  }
0xb: {  	[smem:$0x3FA8] =	sst s3  }
0xc: {  	[smem:$0x3FA9] =	sst s4  }
0xd: {  	[smem:$0x3FAA] =	sst s5  }
0xe: {  	[smem:$0x3FAB] =	sst s6  }
0xf: {  	[smem:$0x3FAC] =	sst s7  }
0x10: {  	[smem:$0x3FAD] =	sst s8  }
0x11: {  	[smem:$0x3FAE] =	sst s9;
	s0 =	simm.s32 @!p0 $0x0  }
0x12: {  	s1 =	sld [smem:$0x3F94];
	s0 =	simm.s32 @p0 $0x1  }
0x13: {  	[smem:$0x3FAF] =	sst s0;
	s0 =	simm.s32 @!p1 $0x0  }
0x14: {  	s2 =	sld [smem:$0x3F93];
	s0 =	simm.s32 @p1 $0x1  }
0x15: {  	[smem:$0x3FB0] =	sst s0;
	s0 =	simm.s32 @!p2 $0x0  }
0x16: {  	s3 =	sld [smem:$0x3FDB];
	s0 =	simm.s32 @p2 $0x1  }
0x17: {  	s4 =	simm.s32 $0x1BF5;
	[smem:$0x3FB2] =	sst s0  }
0x18: {  	s0 =	sld [smem:$0x3F95];
	_ =	swait.ge [sflag:s4], $0x0  }
0x19: {  	s7 =	sld [smem:$0x3F96]  }
0x1a: {  	s8 =	sadd.s32 $0xFFFFE003, lr  }
0x1b: {  	s9 =	sadd.s32 $0xFFFFFEF7, lr;
	s5 =	simm.s32 $0xFFFFFFFF;
	p2 =	slt.u32 s8, $0xFFFFF086  }
0x1c: {  	p1 =	slt.u32 s9, $0xF7A;
	s5 =	simm.s32 @!p2 $0x0  }
0x1d: {  	s5 =	simm.s32 @p1 $0x1;
	p0 =	seq.s32 s7, s2  }
0x1e: {  	s7 =	smul.u32 @!p0 $0xF7A, s2;
	p2 =	seq.s32 @!p0 s5, $0x0  }
0x1f: {  	s9 =	smul.u32 $0xF7A, s1;
	s8 =	simm.s32 @!p0 $0x1BF5;
	p2 =	por !p2, p0  }
0x20: {  	[sflag:s8] =	ssyncset.s32 @!p0 $0xFFFFF086;
	s6 =	sadd.s32 @!p0 s3, s7;
	s7 =	simm.s32 @!p0 $0x108  }
0x21: {  	s3 =	sadd.s32 s3, s9;
	s6 =	sadd.s32 @!p0 $0x88, s6;
	s7 =	simm.s32 @p2 $0x1082  }
0x22: {  	[simem:s7], [sflag:s8] =	dma.local @!p0 [hbm:s6], $0xF7A  }
0x23: {  	s9 =	sor.u32 $0xD0000000, s2;
	s6 =	simm.s32 $0x108;
	_ =	swait.ge @!p0 [sflag:s8], $0x0  }
0x24: {  	s3 =	sadd.s32 $0x88, s3;
	s6 =	simm.s32 @!p1 $0x1082;
	[sflag:s4] =	ssyncset.s32 $0xFFFFF086  }
0x25: {  	[simem:s6], [sflag:s4] =	dma.local [hbm:s3], $0xF7A  }
0x26: {  	[smem:$0x3F96] =	sst s1;
	(tag) =	ssettag s2;
	_ =	strace s9  }
0x27: {  	s1 =	sld [smem:$0x3FA6]  }
0x28: {  	s2 =	sld [smem:$0x3FA7]  }
0x29: {  	s4 =	sld [smem:$0x3FA9]  }
0x2a: {  	p0 =	seq.s32 s5, $0x0;
	s5 =	sld [smem:$0x3FAA]  }
0x2b: {  	s6 =	sld [smem:$0x3FAB]  }
0x2c: {  	s7 =	sld [smem:$0x3FAC]  }
0x2d: {  	s3 =	simm.s32 $0x108;
	s8 =	sld [smem:$0x3FAD]  }
0x2e: {  	s3 =	simm.s32 @!p0 $0x1082;
	s9 =	sld [smem:$0x3FAE]  }
0x2f: {  	lr =	sadd.s32 s0, s3;
	s0 =	sld [smem:$0x3FA5]  }
0x30: {  	s3 =	sld [smem:$0x3FA8]  }
0x31: {  	[smem:$0x3FB1] =	sst s10  }
0x32: {  	s10 =	sld [smem:$0x3FAF];
	_ =	sdelay $0x3  }
0x33: {  	p0 =	seq.s32 s10, $0x1;
	s10 =	sld [smem:$0x3FB1];
	_ =	sdelay $0x3  }
0x34: {  	[smem:$0x3FB1] =	sst s10  }
0x35: {  	s10 =	sld [smem:$0x3FB0];
	_ =	sdelay $0x3  }
0x36: {  	p1 =	seq.s32 s10, $0x1;
	s10 =	sld [smem:$0x3FB1];
	_ =	sdelay $0x3  }
0x37: {  	[smem:$0x3FB1] =	sst s10  }
0x38: {  	s10 =	sld [smem:$0x3FB2]  }
0x39: {  	_ = 	snop;
	(pc) =	sbr.ind lr, $3  }
0x3a: {  	_ = 	snop  }
0x3b: {  	_ = 	snop  }
0x3c: {  	p2 =	seq.s32 s10, $0x1;
	s10 =	sld [smem:$0x3FB1]  }
0x3d: {  	_ =	shalt  }
0x3e: {  	_ =	shalt  }
0x3f: {  	_ =	shalt  }
0x40: {  	_ =	shalt  }
0x41: {  	_ =	shalt  }
0x42: {  	_ =	shalt  }
0x43: {  	_ =	shalt  }
0x44: {  	_ =	shalt  }
0x45: {  	_ =	shalt  }
0x46: {  	_ =	shalt  }
0x47: {  	_ =	shalt  }
0x48: {  	_ =	shalt  }
0x49: {  	_ =	shalt  }
0x4a: {  	_ =	shalt  }
0x4b: {  	_ =	shalt  }
0x4c: {  	_ =	shalt  }
0x4d: {  	_ =	shalt  }
0x4e: {  	_ =	shalt  }
0x4f: {  	_ =	shalt  }
0x50: {  	_ =	shalt  }
0x51: {  	_ =	shalt  }
0x52: {  	_ =	shalt  }
0x53: {  	_ =	shalt  }
0x54: {  	_ =	shalt  }
0x55: {  	_ =	shalt  }
0x56: {  	_ =	shalt  }
0x57: {  	_ =	shalt  }
0x58: {  	_ =	shalt  }
0x59: {  	_ =	shalt  }
0x5a: {  	_ =	shalt  }
0x5b: {  	_ =	shalt  }
0x5c: {  	_ =	shalt  }
0x5d: {  	_ =	shalt  }
0x5e: {  	_ =	shalt  }
0x5f: {  	_ =	shalt  }
0x60: {  	_ =	shalt  }
0x61: {  	_ =	shalt  }
0x62: {  	_ =	shalt  }
0x63: {  	_ =	shalt  }
0x64: {  	_ =	shalt  }
0x65: {  	_ =	shalt  }
0x66: {  	_ =	shalt  }
0x67: {  	_ =	shalt  }
0x68: {  	_ =	shalt  }
0x69: {  	_ =	shalt  }
0x6a: {  	_ =	shalt  }
0x6b: {  	_ =	shalt  }
0x6c: {  	_ =	shalt  }
0x6d: {  	_ =	shalt  }
0x6e: {  	_ =	shalt  }
0x6f: {  	_ =	shalt  }
0x70: {  	_ =	shalt  }
0x71: {  	_ =	shalt  }
0x72: {  	_ =	shalt  }
0x73: {  	_ =	shalt  }
0x74: {  	_ =	shalt  }
0x75: {  	_ =	shalt  }
0x76: {  	_ =	shalt  }
0x77: {  	_ =	shalt  }
0x78: {  	_ =	shalt  }
0x79: {  	_ =	shalt  }
0x7a: {  	_ =	shalt  }
0x7b: {  	_ =	shalt  }
0x7c: {  	_ =	shalt  }
0x7d: {  	_ =	shalt  }
0x7e: {  	_ =	shalt  }
0x7f: {  	_ =	shalt  }
0x80: {  	_ =	shalt  }
0x81: {  	_ =	shalt  }
0x82: {  	_ =	shalt  }
0x83: {  	_ =	shalt  }
0x84: {  	_ =	shalt  }
0x85: {  	_ =	shalt  }
0x86: {  	_ =	shalt  }
0x87: {  	_ =	shalt  }
.Lfunc_end0:
.L_simem_size_0:
called_computation_lowered:
.L_overlay_start_0:
0x88: {  	s2 =	sld [smem:$0x3FD9]  }
0x89: {  	s3 =	sld [smem:$0x3FFE];
	_ =	sdelay $0x1  }
0x8a: {  	s1 =	srdreg.scid  }
0x8b: {  	s0 =	sand.u32 $0x1, s1  }
0x8c: {  	s17 =	sshll.u32 s0, $0xA;
	s2 =	sadd.s32 s3, s2  }
0x8d: {  	s2 =	sadd.s32 s2, s17  }
0x8e: {  	[smem:$0x3FBD] =	sst s2  }
0x8f: {  	_ = 	snop  }
0x90: {  	s2 =	sld [smem:$0x3FD0];
	(tm) =	ssettm $0x1  }
0x91: {  	s18 =	sld [smem:$0x3FFB];
	_ =	sdelay $0x3  }
0x92: {  	_ =	strace s18  }
0x93: {  	s3 =	sld [smem:$0x3FFC];
	_ =	sdelay $0x3  }
0x94: {  	_ =	strace s3  }
0x95: {  	s3 =	sld [smem:$0x3FFD];
	_ =	sdelay $0x3  }
0x96: {  	_ =	strace s3  }
0x97: {  	_ =	strace $0x8FFFFFFF  }
0x98: {  	s19 =	sld [smem:$0x3FDB];
	_ =	sdelay $0x1  }
0x99: {  	s4 =	simm.s32 $_scs_section_size  }
0x9a: {  	s5 =	simm.s32 $_size__tile_overlayer_lowered;
	s6 =	simm.s32 $_tile_overlayer_lowered  }
0x9b: {  	s22 =	simm.s32 $0x1BFF;
	s21 =	sshll.u32 s6, $0x1;
	s3 =	sadd.s32 s4, s19  }
0x9c: {  	s7 =	simm.s32 $0x0;
	s20 =	sshll.u32 s5, $0x1;
	s5 =	sadd.s32 s21, s3  }
0x9d: {  	[timem:s7], [sflag:s22] =	dma.local [hbm:s5], s20  }
0x9e: {  	_ =	swait.ge [sflag:s22], s20  }
0x9f: {  	s4 =	ssub.s32 $0x0, s20;
	[sflag:s22] =	ssyncset.done $0x0  }
0xa0: {  	[sflag:s22] =	ssyncadd.s32 s4;
	_ =	sdelay $0x1  }
0xa1: {  	s23 =	simm.s32 $0x1B8B  }
0xa2: {  	_ =	swait.ge [sflag:s23], $0x1  }
0xa3: {  	[sflag:s23] =	ssyncset.done $0x0  }
0xa4: {  	s25 =	simm.s32 $0x1B8E;
	s24 =	sld [smem:$0x3FFE];
	[sflag:s23] =	ssyncadd.s32 $0xFFFFFFFF  }
0xa5: {  	s26 =	simm.s32 $execute0_lowered;
	[smem:$0x3FD2] =	sst s25  }
0xa6: {  	s5 =	sshll.u32 s26, $0x1;
	_ =	strace $0x80000046;
	[dreg:$0x1] =	wrdreg $0xFFFFFFFF  }
0xa7: {  	s28 =	simm.s32 $_size_execute0_lowered;
	s3 =	sadd.s32 s3, s5;
	[dreg:$0x0] =	wrdreg $0x0  }
0xa8: {  	s5 =	sshll.u32 s28, $0x1;
	[dreg:$0x2] =	wrdreg s3  }
0xa9: {  	[dreg:$0x3] =	wrdreg s5  }
0xaa: {  	[dreg:$0x4] =	wrdreg $0xC0  }
0xab: {  	_ =	task [dreg:s7], $0x5FFFF  }
0xac: {  	[dreg:$0x1] =	wrdreg $0xFFFFFFFF  }
0xad: {  	[dreg:$0x0] =	wrdreg $0x60  }
0xae: {  	[dreg:$0x2] =	wrdreg s2  }
0xaf: {  	[dreg:$0x3] =	wrdreg s24  }
0xb0: {  	[dreg:$0x4] =	wrdreg $0x9  }
0xb1: {  	_ =	task.clear_ibuf [dreg:s7], $0x5FFFF;
	_ =	strace $0x90000046  }
0xb2: {  	s29 =	simm.s32 $0x9;
	_ =	strace $0x80000048  }
0xb3: {  	_ =	swait.ge [sflag:s29], $0x1  }
0xb4: {  	[sflag:s29] =	ssyncadd.s32 $0xFFFFFFFF  }
0xb5: {  	_ =	strace $0x90000048  }
0xb6: {  	_ =	sfence  }
0xb7: {  	s30 =	sld [smem:$0x0];
	_ =	sdelay $0x2  }
0xb8: {  	s31 =	sshll.u32 s1, $0xD;
	s1 =	sshrl.u32 s1, $0x2  }
0xb9: {  	s3 =	sand.u32 $0x4000, s31;
	s1 =	sadd.s32 s1, s30  }
0xba: {  	s0 =	sor.u32 s3, s0;
	s1 =	sshll.u32 s1, $0x11  }
0xbb: {  	s0 =	sor.u32 s1, s0  }
0xbc: {  	s0 =	sadd.s32 $0x8F2B, s0  }
0xbd: {  	[sflag:s0] =	ssyncadd.remote.s32 $0x1  }
0xbe: {  	_ =	sfence.sel $0xFFFF  }
0xbf: {  	[dreg:$0x0] =	wrdreg $0xFFFFFFFF;
	(pc) =	sbr.abs _section_cstart, $3  }
0xc0: {  	[dreg:$0x1] =	wrdreg $0xFFFFFFFF  }
0xc1: {  	_ =	task.clear_ibuf [dreg:s7], $0x2FFFF;
	_ =	strace $0x9FFFFFFF  }
0xc2: {  	(tm) =	ssettm $0x7FFFFFFF  }
0xc3: {  	_ =	shalt  }
tec
execute0_lowered:
.L_overlay_start_1:
0x0: {  	(tag) =	ssettag $0x1  }
0x1: {  	s2 =	rddreg [dreg:$0x0]  }
0x2: {  	s0 =	rddreg [dreg:$0x1]  }
0x3: {  	s1 =	srdreg.scid;
	s13 =	stileid.u32;
	s3 =	simm.s32 $0x0  }
0x4: {  	s29 =	simm.s32 $0x10;
	s30 =	simm.s32 $0x8400;
	s31 =	simm.s32 $0x3  }
0x5: {  	s1 =	sand.u32 $0x1, s1;
	s4 =	sshll.u32 s13, $0x1;
	s17 =	smul.u32 $0x4E20, s13  }
0x6: {  	[smem:$0x7FF] =	sst s3;
	s6 =	sadd.s32 $0xBE00, s0;
	s24 =	smul.u32 $0x4E200, s13  }
0x7: {  	s10 =	sadd.s32 $0x20000, s0;
	s5 =	sor.u32 s1, s4;
	s12 =	smul.u32 $0x2710, s1  }
0x8: {  	_ =	strace $0x80000047;
	s8 =	ssub.s32 $0x2, s1;
	s1 =	smul.u32 $0x27100, s1  }
0x9: {  	s4 =	sadd.s32 $0x15C00, s0;
	s7 =	smul.u32 $0x2710, s5;
	s5 =	sadd.s32 $0x2000, s0  }
0xa: {  	s9 =	sshrl.u32 s8, $0x1;
	s0 =	sadd.s32 $0x16200, s0;
	s25 =	sadd.s32 s24, s10  }
0xb: {  	s24 =	simm.s32 $0x1;
	s8 =	ssub.s32 s8, s9;
	s22 =	sadd.s32 s12, s17  }
0xc: {  	s17 =	simm.s32 $0x80;
	s11 =	sshrl.u32 s7, $0x3;
	s7 =	sadd.s32 $0x2700, s7  }
0xd: {  	s21 =	smax.u32 s8, $0x1;
	s9 =	sadd.s32 $0x100, s22;
	s23 =	sshrl.u32 s22, $0x3  }
0xe: {  	s15 =	sadd.s32 s5, s11;
	s16 =	sadd.s32 s6, s11;
	s18 =	sshrl.u32 s7, $0x3  }
0xf: {  	s7 =	sshll.u32 s7, $0x4;
	[dreg:$0xd] =	wrdreg s21;
	s8 =	sadd.s32 s23, s0  }
0x10: {  	s21 =	simm.s32 $0x4200;
	s23 =	simm.s32 $0x8280;
	[dreg:$0x7] =	wrdreg s15  }
0x11: {  	[dreg:$0x8] =	wrdreg s16;
	s14 =	sadd.s32 s5, s18;
	s19 =	sadd.s32 s6, s18  }
0x12: {  	s7 =	sadd.s32 s10, s7;
	s20 =	sadd.s32 s0, s18;
	[dreg:$0x3] =	wrdreg s8  }
0x13: {  	s15 =	sadd.s32 s1, s25;
	s16 =	simm.s32 $0x4;
	[dreg:$0x9] =	wrdreg s14  }
0x14: {  	s18 =	simm.s32 $0x100;
	[dreg:$0xb] =	wrdreg s7;
	s7 =	sadd.s32 $0x80, s22  }
0x15: {  	s25 =	simm.s32 $0x2;
	[dreg:$0xa] =	wrdreg s19;
	s7 =	sshrl.u32 s7, $0x3  }
0x16: {  	s1 =	simm.s32 $0x0;
	[dreg:$0xc] =	wrdreg s20;
	s0 =	sadd.s32 s7, s0  }
0x17: {  	s19 =	simm.s32 $0x4100;
	s26 =	sadd.s32 s7, s6;
	[dreg:$0x4] =	wrdreg s0  }
0x18: {  	s20 =	simm.s32 $0x4180;
	s28 =	sadd.s32 s7, s5;
	[dreg:$0x5] =	wrdreg s26  }
0x19: {  	s22 =	simm.s32 $0x4280;
	[dreg:$0x6] =	wrdreg s28;
	s0 =	simm.s32 $0x8C00  }
.LBB2_1:
0x1a: {  	s7 =	rddreg [dreg:$0x7]  }
0x1b: {  	[tilespmem:s3], [sflag:$0x4] =	stream.linear.gather [hbm4b:s7+s3], $0x80, $0x38;
	[tilespmem:$0x8C80] =	vst v63  }
0x1c: {  	_ =	swait.ge [sflag:s16], $0x80  }
0x1d: {  	[sflag:s16] =	ssyncset.done $0x0  }
0x1e: {  	s11 =	rddreg [dreg:$0x8];
	[sflag:s16] =	ssyncadd.s32 $0xFFFFFF80  }
0x1f: {  	[tilespmem:s17], [sflag:$0x4] =	stream.linear.gather [hbm4b:s11+s3], $0x80, $0x38;
	[tilespmem:$0x8C80] =	vst v63  }
0x20: {  	_ =	swait.ge [sflag:s16], $0x80  }
0x21: {  	[sflag:s16] =	ssyncset.done $0x0  }
0x22: {  	[sflag:s16] =	ssyncadd.s32 $0xFFFFFF80  }
0x23: {  	[tilespmem:s18], [sflag:$0x1] =	stream.indirect.gather [hbm4b:s2+s17], $0x80, s3, s17, $0xb8;
	[tilespmem:$0x8C80] =	vst v63  }
0x24: {  	s12 =	rddreg [dreg:$0x6]  }
0x25: {  	[tilespmem:s19], [sflag:$0x1] =	stream.indirect.gather [hbm4b:s4+s17], $0x1, s17, s17, $0xb8;
	[tilespmem:$0x8C80] =	vst v63  }
0x26: {  	s7 =	sadd.s32 $0x0, s12  }
0x27: {  	[tilespmem:s20], [sflag:$0x4] =	stream.linear.gather [hbm4b:s7+s3], $0x80, $0x38;
	[tilespmem:$0x8C80] =	vst v63  }
0x28: {  	_ =	swait.ge [sflag:s16], $0x80  }
0x29: {  	s13 =	rddreg [dreg:$0x5];
	[sflag:s16] =	ssyncset.done $0x0  }
0x2a: {  	[sflag:s16] =	ssyncadd.s32 $0xFFFFFF80;
	s7 =	sadd.s32 $0x0, s13  }
0x2b: {  	[tilespmem:s21], [sflag:$0x4] =	stream.linear.gather [hbm4b:s7+s3], $0x80, $0x38;
	[tilespmem:$0x8C80] =	vst v63  }
0x2c: {  	_ =	swait.ge [sflag:s16], $0x80  }
0x2d: {  	[sflag:s16] =	ssyncset.done $0x0  }
0x2e: {  	[sflag:s16] =	ssyncadd.s32 $0xFFFFFF80  }
0x2f: {  	[tilespmem:s22], [sflag:$0x2] =	stream.indirect.gather [hbm4b:s2+s17], $0x80, s20, s17, $0xb8;
	[tilespmem:$0x8C80] =	vst v63  }
0x30: {  	_ = 	snop  }
0x31: {  	[tilespmem:s23], [sflag:$0x2] =	stream.indirect.gather [hbm4b:s4+s17], $0x1, s21, s17, $0xb8;
	[tilespmem:$0x8C80] =	vst v63  }
0x32: {  	_ =	swait.ge [sflag:s24], $0x4000  }
0x33: {  	[sflag:s24] =	ssyncset.done $0x0  }
0x34: {  	[sflag:s24] =	ssyncadd.s32 $0xFFFFC000  }
0x35: {  	_ =	swait.ge [sflag:s24], $0x80  }
0x36: {  	[sflag:s24] =	ssyncset.done $0x0  }
0x37: {  	[sflag:s24] =	ssyncadd.s32 $0xFFFFFF80  }
0x38: {  	[hbm4b:s15+s3] =	stream.linear.scatter [tilespmem:s18], [sflag:$0x4], $0x4000, $0x38;
	[tilespmem:$0x8C80] =	vst v63  }
0x39: {  	_ =	swait.ge [sflag:s16], $0x4000  }
0x3a: {  	s14 =	rddreg [dreg:$0x3];
	[sflag:s16] =	ssyncset.done $0x0  }
0x3b: {  	[sflag:s16] =	ssyncadd.s32 $0xFFFFC000;
	s7 =	sadd.s32 $0x0, s14  }
0x3c: {  	[hbm4b:s7+s3] =	stream.linear.scatter [tilespmem:s19], [sflag:$0x4], $0x80, $0x38;
	[tilespmem:$0x8C80] =	vst v63  }
0x3d: {  	p0 =	por $0x0, $0x0;
	_ =	swait.ge [sflag:s16], $0x80  }
0x3e: {  	s8 =	simm.s32 @!p0 $0x4;
	s7 =	sshrl.u32 @!p0 s9, $0x3;
	[sflag:s16] =	ssyncset.done $0x0  }
0x3f: {  	s11 =	simm.s32 @!p0 $0x0;
	s10 =	sadd.s32 @!p0 s5, s7;
	[sflag:s16] =	ssyncadd.s32 $0xFFFFFF80  }
0x40: {  	[tilespmem:s11], [sflag:$0x4] =	stream.linear.gather @!p0 [hbm4b:s10+s11], $0x80, $0x38;
	[tilespmem:$0x8C80] =	vst v63  }
0x41: {  	_ =	swait.ge @!p0 [sflag:s8], $0x80  }
0x42: {  	[sflag:s8] =	ssyncset.done @!p0 $0x0  }
0x43: {  	s7 =	sadd.s32 @!p0 s6, s7;
	s10 =	simm.s32 @!p0 $0x80;
	[sflag:s8] =	ssyncadd.s32 @!p0 $0xFFFFFF80  }
0x44: {  	[tilespmem:s10], [sflag:$0x4] =	stream.linear.gather @!p0 [hbm4b:s7+s11], $0x80, $0x38;
	[tilespmem:$0x8C80] =	vst v63  }
0x45: {  	_ =	swait.ge @!p0 [sflag:s8], $0x80  }
0x46: {  	[sflag:s8] =	ssyncset.done @!p0 $0x0  }
0x47: {  	s7 =	simm.s32 @!p0 $0x100;
	[sflag:s8] =	ssyncadd.s32 @!p0 $0xFFFFFF80  }
0x48: {  	[tilespmem:s7], [sflag:$0x1] =	stream.indirect.gather @!p0 [hbm4b:s2+s10], $0x80, s11, s10, $0xb8;
	[tilespmem:$0x8C80] =	vst v63  }
0x49: {  	s7 =	simm.s32 @!p0 $0x4100  }
0x4a: {  	[tilespmem:s7], [sflag:$0x1] =	stream.indirect.gather @!p0 [hbm4b:s4+s10], $0x1, s10, s10, $0xb8;
	[tilespmem:$0x8C80] =	vst v63  }
0x4b: {  	_ =	swait.ge [sflag:s25], $0x4000  }
0x4c: {  	[sflag:s25] =	ssyncset.done $0x0  }
0x4d: {  	[sflag:s25] =	ssyncadd.s32 $0xFFFFC000  }
0x4e: {  	_ =	swait.ge [sflag:s25], $0x80  }
0x4f: {  	[sflag:s25] =	ssyncset.done $0x0  }
0x50: {  	s26 =	sadd.s32 $0x800, s15;
	[sflag:s25] =	ssyncadd.s32 $0xFFFFFF80  }
0x51: {  	[hbm4b:s26+s3] =	stream.linear.scatter [tilespmem:s22], [sflag:$0x4], $0x4000, $0x38;
	[tilespmem:$0x8C80] =	vst v63  }
0x52: {  	_ =	swait.ge [sflag:s16], $0x4000  }
0x53: {  	s28 =	rddreg [dreg:$0x4];
	[sflag:s16] =	ssyncset.done $0x0  }
0x54: {  	s14 =	smov.u32 s9;
	[sflag:s16] =	ssyncadd.s32 $0xFFFFC000;
	s7 =	sadd.s32 $0x0, s28  }
0x55: {  	[hbm4b:s7+s3] =	stream.linear.scatter [tilespmem:s23], [sflag:$0x4], $0x80, $0x38;
	[tilespmem:$0x8C80] =	vst v63  }
0x56: {  	s8 =	sadd.s32 $0x1000, s15;
	s10 =	simm.s32 $0x40;
	_ =	swait.ge [sflag:s16], $0x80  }
0x57: {  	s7 =	simm.s32 $0x20;
	s12 =	rddreg [dreg:$0x6];
	[sflag:s16] =	ssyncset.done $0x0  }
.LBB2_2:
0x58: {  	[sflag:s16] =	ssyncadd.s32 $0xFFFFFF80;
	s12 =	sadd.s32 s7, s12  }
0x59: {  	[tilespmem:s20], [sflag:$0x4] =	stream.linear.gather [hbm4b:s12+s3], $0x80, $0x38;
	[tilespmem:$0x8C80] =	vst v63  }
0x5a: {  	_ =	swait.ge [sflag:s16], $0x80  }
0x5b: {  	s28 =	rddreg [dreg:$0x5];
	[sflag:s16] =	ssyncset.done $0x0  }
0x5c: {  	[sflag:s16] =	ssyncadd.s32 $0xFFFFFF80;
	s12 =	sadd.s32 s7, s28  }
0x5d: {  	[tilespmem:s21], [sflag:$0x4] =	stream.linear.gather [hbm4b:s12+s3], $0x80, $0x38;
	[tilespmem:$0x8C80] =	vst v63  }
0x5e: {  	_ =	swait.ge [sflag:s16], $0x80  }
0x5f: {  	[sflag:s16] =	ssyncset.done $0x0  }
0x60: {  	[sflag:s16] =	ssyncadd.s32 $0xFFFFFF80  }
0x61: {  	[tilespmem:s22], [sflag:$0x2] =	stream.indirect.gather [hbm4b:s2+s17], $0x80, s20, s17, $0xb8;
	[tilespmem:$0x8C80] =	vst v63  }
0x62: {  	_ = 	snop  }
0x63: {  	[tilespmem:s23], [sflag:$0x2] =	stream.indirect.gather [hbm4b:s4+s17], $0x1, s21, s17, $0xb8;
	[tilespmem:$0x8C80] =	vst v63  }
0x64: {  	_ =	swait.ge [sflag:s24], $0x4000  }
0x65: {  	[sflag:s24] =	ssyncset.done $0x0  }
0x66: {  	[sflag:s24] =	ssyncadd.s32 $0xFFFFC000  }
0x67: {  	_ =	swait.ge [sflag:s24], $0x80  }
0x68: {  	[sflag:s24] =	ssyncset.done $0x0  }
0x69: {  	[sflag:s24] =	ssyncadd.s32 $0xFFFFFF80  }
0x6a: {  	[hbm4b:s8+s3] =	stream.linear.scatter [tilespmem:s18], [sflag:$0x4], $0x4000, $0x38;
	[tilespmem:$0x8C80] =	vst v63  }
0x6b: {  	_ =	swait.ge [sflag:s16], $0x4000  }
0x6c: {  	s13 =	rddreg [dreg:$0x3];
	[sflag:s16] =	ssyncset.done $0x0  }
0x6d: {  	[sflag:s16] =	ssyncadd.s32 $0xFFFFC000;
	s12 =	sadd.s32 s7, s13  }
0x6e: {  	[hbm4b:s12+s3] =	stream.linear.scatter [tilespmem:s19], [sflag:$0x4], $0x80, $0x38;
	[tilespmem:$0x8C80] =	vst v63  }
0x6f: {  	s14 =	sadd.s32 $0x100, s14;
	p1 =	seq.s32 s7, $0x4C0;
	_ =	swait.ge [sflag:s16], $0x80  }
0x70: {  	s28 =	simm.s32 @!p1 $0x0;
	s12 =	sshrl.u32 @!p1 s14, $0x3;
	[sflag:s16] =	ssyncset.done $0x0  }
0x71: {  	s13 =	simm.s32 @!p1 $0x4;
	s26 =	sadd.s32 @!p1 s5, s12;
	[sflag:s16] =	ssyncadd.s32 $0xFFFFFF80  }
0x72: {  	[tilespmem:s28], [sflag:$0x4] =	stream.linear.gather @!p1 [hbm4b:s26+s28], $0x80, $0x38;
	[tilespmem:$0x8C80] =	vst v63  }
0x73: {  	_ =	swait.ge @!p1 [sflag:s13], $0x80  }
0x74: {  	[sflag:s13] =	ssyncset.done @!p1 $0x0  }
0x75: {  	s12 =	sadd.s32 @!p1 s6, s12;
	s26 =	simm.s32 @!p1 $0x80;
	[sflag:s13] =	ssyncadd.s32 @!p1 $0xFFFFFF80  }
0x76: {  	[tilespmem:s26], [sflag:$0x4] =	stream.linear.gather @!p1 [hbm4b:s12+s28], $0x80, $0x38;
	[tilespmem:$0x8C80] =	vst v63  }
0x77: {  	_ =	swait.ge @!p1 [sflag:s13], $0x80  }
0x78: {  	[sflag:s13] =	ssyncset.done @!p1 $0x0  }
0x79: {  	s12 =	simm.s32 @!p1 $0x100;
	[sflag:s13] =	ssyncadd.s32 @!p1 $0xFFFFFF80  }
0x7a: {  	[tilespmem:s12], [sflag:$0x1] =	stream.indirect.gather @!p1 [hbm4b:s2+s26], $0x80, s28, s26, $0xb8;
	[tilespmem:$0x8C80] =	vst v63  }
0x7b: {  	s12 =	simm.s32 @!p1 $0x4100  }
0x7c: {  	[tilespmem:s12], [sflag:$0x1] =	stream.indirect.gather @!p1 [hbm4b:s4+s26], $0x1, s26, s26, $0xb8;
	[tilespmem:$0x8C80] =	vst v63  }
0x7d: {  	_ =	swait.ge [sflag:s25], $0x4000  }
0x7e: {  	[sflag:s25] =	ssyncset.done $0x0  }
0x7f: {  	[sflag:s25] =	ssyncadd.s32 $0xFFFFC000  }
0x80: {  	_ =	swait.ge [sflag:s25], $0x80  }
0x81: {  	s11 =	smov.u32 s10;
	[sflag:s25] =	ssyncset.done $0x0  }
0x82: {  	s10 =	sadd.s32 $0x20, s10;
	s26 =	sadd.s32 $0x800, s8;
	[sflag:s25] =	ssyncadd.s32 $0xFFFFFF80  }
0x83: {  	[hbm4b:s26+s3] =	stream.linear.scatter [tilespmem:s22], [sflag:$0x4], $0x4000, $0x38;
	[tilespmem:$0x8C80] =	vst v63  }
0x84: {  	p0 =	sne.s32 s10, $0x4E0;
	_ =	swait.ge [sflag:s16], $0x4000  }
.Ltmp0:
0x85: {  	s28 =	rddreg [dreg:$0x4];
	[sflag:s16] =	ssyncset.done $0x0;
	(pc) =	sbr.rel @p0 .LBB2_2-.Ltmp0, $4  }
0x86: {  	[sflag:s16] =	ssyncadd.s32 $0xFFFFC000;
	s12 =	sadd.s32 s7, s28  }
0x87: {  	[hbm4b:s12+s3] =	stream.linear.scatter [tilespmem:s23], [sflag:$0x4], $0x80, $0x38;
	[tilespmem:$0x8C80] =	vst v63  }
0x88: {  	s8 =	sadd.s32 $0x1000, s8;
	_ =	swait.ge [sflag:s16], $0x80  }
0x89: {  	s7 =	smov.u32 s11;
	s12 =	rddreg [dreg:$0x6];
	[sflag:s16] =	ssyncset.done $0x0  }
0x8a: {  	[sflag:s16] =	ssyncadd.s32 $0xFFFFFF80;
	s10 =	sadd.s32 s7, s12  }
0x8b: {  	[tilespmem:s20], [sflag:$0x4] =	stream.linear.gather [hbm4b:s10+s3], $0x80, $0x38;
	[tilespmem:$0x8C80] =	vst v63  }
0x8c: {  	_ =	swait.ge [sflag:s16], $0x80  }
0x8d: {  	s12 =	rddreg [dreg:$0x5];
	[sflag:s16] =	ssyncset.done $0x0  }
0x8e: {  	[sflag:s16] =	ssyncadd.s32 $0xFFFFFF80;
	s10 =	sadd.s32 s7, s12  }
0x8f: {  	[tilespmem:s21], [sflag:$0x4] =	stream.linear.gather [hbm4b:s10+s3], $0x80, $0x38;
	[tilespmem:$0x8C80] =	vst v63  }
0x90: {  	_ =	swait.ge [sflag:s16], $0x80  }
0x91: {  	[sflag:s16] =	ssyncset.done $0x0  }
0x92: {  	[sflag:s16] =	ssyncadd.s32 $0xFFFFFF80  }
0x93: {  	[tilespmem:s22], [sflag:$0x2] =	stream.indirect.gather [hbm4b:s2+s17], $0x80, s20, s17, $0xb8;
	[tilespmem:$0x8C80] =	vst v63  }
0x94: {  	_ = 	snop  }
0x95: {  	[tilespmem:s23], [sflag:$0x2] =	stream.indirect.gather [hbm4b:s4+s17], $0x1, s21, s17, $0xb8;
	[tilespmem:$0x8C80] =	vst v63  }
0x96: {  	_ =	swait.ge [sflag:s24], $0x4000  }
0x97: {  	[sflag:s24] =	ssyncset.done $0x0  }
0x98: {  	[sflag:s24] =	ssyncadd.s32 $0xFFFFC000  }
0x99: {  	_ =	swait.ge [sflag:s24], $0x80  }
0x9a: {  	[sflag:s24] =	ssyncset.done $0x0  }
0x9b: {  	[sflag:s24] =	ssyncadd.s32 $0xFFFFFF80  }
0x9c: {  	[hbm4b:s8+s3] =	stream.linear.scatter [tilespmem:s18], [sflag:$0x4], $0x4000, $0x38;
	[tilespmem:$0x8C80] =	vst v63  }
0x9d: {  	_ =	swait.ge [sflag:s16], $0x4000  }
0x9e: {  	s13 =	rddreg [dreg:$0x3];
	[sflag:s16] =	ssyncset.done $0x0  }
0x9f: {  	[sflag:s16] =	ssyncadd.s32 $0xFFFFC000;
	s10 =	sadd.s32 s7, s13  }
0xa0: {  	[hbm4b:s10+s3] =	stream.linear.scatter [tilespmem:s19], [sflag:$0x4], $0x80, $0x38;
	[tilespmem:$0x8C80] =	vst v63  }
0xa1: {  	p0 =	seq.s32 s7, $0x4C0;
	s10 =	sadd.s32 $0x100, s14;
	_ =	swait.ge [sflag:s16], $0x80  }
0xa2: {  	s11 =	simm.s32 @!p0 $0x4;
	s10 =	sshrl.u32 @!p0 s10, $0x3;
	[sflag:s16] =	ssyncset.done $0x0  }
0xa3: {  	s13 =	simm.s32 @!p0 $0x0;
	s12 =	sadd.s32 @!p0 s5, s10;
	[sflag:s16] =	ssyncadd.s32 $0xFFFFFF80  }
0xa4: {  	[tilespmem:s13], [sflag:$0x4] =	stream.linear.gather @!p0 [hbm4b:s12+s13], $0x80, $0x38;
	[tilespmem:$0x8C80] =	vst v63  }
0xa5: {  	_ =	swait.ge @!p0 [sflag:s11], $0x80  }
0xa6: {  	[sflag:s11] =	ssyncset.done @!p0 $0x0  }
0xa7: {  	s10 =	sadd.s32 @!p0 s6, s10;
	s12 =	simm.s32 @!p0 $0x80;
	[sflag:s11] =	ssyncadd.s32 @!p0 $0xFFFFFF80  }
0xa8: {  	[tilespmem:s12], [sflag:$0x4] =	stream.linear.gather @!p0 [hbm4b:s10+s13], $0x80, $0x38;
	[tilespmem:$0x8C80] =	vst v63  }
0xa9: {  	_ =	swait.ge @!p0 [sflag:s11], $0x80  }
0xaa: {  	[sflag:s11] =	ssyncset.done @!p0 $0x0  }
0xab: {  	s10 =	simm.s32 @!p0 $0x100;
	[sflag:s11] =	ssyncadd.s32 @!p0 $0xFFFFFF80  }
0xac: {  	[tilespmem:s10], [sflag:$0x1] =	stream.indirect.gather @!p0 [hbm4b:s2+s12], $0x80, s13, s12, $0xb8;
	[tilespmem:$0x8C80] =	vst v63  }
0xad: {  	s10 =	simm.s32 @!p0 $0x4100  }
0xae: {  	[tilespmem:s10], [sflag:$0x1] =	stream.indirect.gather @!p0 [hbm4b:s4+s12], $0x1, s12, s12, $0xb8;
	[tilespmem:$0x8C80] =	vst v63  }
0xaf: {  	_ =	swait.ge [sflag:s25], $0x4000  }
0xb0: {  	[sflag:s25] =	ssyncset.done $0x0  }
0xb1: {  	[sflag:s25] =	ssyncadd.s32 $0xFFFFC000  }
0xb2: {  	_ =	swait.ge [sflag:s25], $0x80  }
0xb3: {  	[sflag:s25] =	ssyncset.done $0x0  }
0xb4: {  	s26 =	sadd.s32 $0x800, s8;
	[sflag:s25] =	ssyncadd.s32 $0xFFFFFF80  }
0xb5: {  	[hbm4b:s26+s3] =	stream.linear.scatter [tilespmem:s22], [sflag:$0x4], $0x4000, $0x38;
	[tilespmem:$0x8C80] =	vst v63  }
0xb6: {  	_ =	swait.ge [sflag:s16], $0x4000  }
0xb7: {  	s28 =	rddreg [dreg:$0x4];
	[sflag:s16] =	ssyncset.done $0x0  }
0xb8: {  	s8 =	sadd.s32 s7, s28;
	[sflag:s16] =	ssyncadd.s32 $0xFFFFC000  }
0xb9: {  	[hbm4b:s8+s3] =	stream.linear.scatter [tilespmem:s23], [sflag:$0x4], $0x80, $0x38;
	[tilespmem:$0x8C80] =	vst v63  }
0xba: {  	_ =	swait.ge [sflag:s16], $0x80  }
0xbb: {  	[sflag:s16] =	ssyncset.done $0x0  }
0xbc: {  	s11 =	simm.s32 $0x8300;
	s10 =	rddreg [dreg:$0x9];
	[sflag:s16] =	ssyncadd.s32 $0xFFFFFF80  }
0xbd: {  	[tilespmem:s11], [sflag:$0x4] =	stream.linear.gather [hbm4b:s10+s3], $0x10, $0x38;
	[tilespmem:$0x8C80] =	vst v63  }
0xbe: {  	_ =	swait.ge [sflag:s16], $0x10  }
0xbf: {  	[sflag:s16] =	ssyncset.done $0x0  }
0xc0: {  	s13 =	simm.s32 $0x8380;
	s12 =	rddreg [dreg:$0xa];
	[sflag:s16] =	ssyncadd.s32 $0xFFFFFFF0  }
0xc1: {  	[tilespmem:s13], [sflag:$0x4] =	stream.linear.gather [hbm4b:s12+s3], $0x10, $0x38;
	[tilespmem:$0x8C80] =	vst v63  }
0xc2: {  	_ =	swait.ge [sflag:s16], $0x10  }
0xc3: {  	[sflag:s16] =	ssyncset.done $0x0  }
0xc4: {  	[sflag:s16] =	ssyncadd.s32 $0xFFFFFFF0  }
0xc5: {  	[tilespmem:s30], [sflag:$0x3] =	stream.indirect.gather [hbm4b:s2+s29], $0x80, s11, s29, $0xb8;
	[tilespmem:$0x8C80] =	vst v63  }
0xc6: {  	_ =	swait.ge [sflag:s31], $0x800  }
0xc7: {  	[sflag:s31] =	ssyncset.done $0x0  }
0xc8: {  	s14 =	rddreg [dreg:$0xb];
	[sflag:s31] =	ssyncadd.s32 $0xFFFFF800  }
0xc9: {  	[hbm4b:s14+s3] =	stream.linear.scatter [tilespmem:s30], [sflag:$0x4], $0x800, $0x38;
	[tilespmem:$0x8C80] =	vst v63  }
0xca: {  	_ =	swait.ge [sflag:s16], $0x800  }
0xcb: {  	[sflag:s16] =	ssyncset.done $0x0  }
0xcc: {  	[sflag:s16] =	ssyncadd.s32 $0xFFFFF800  }
0xcd: {  	[tilespmem:s0], [sflag:$0x3] =	stream.indirect.gather [hbm4b:s4+s29], $0x1, s13, s29, $0xb8;
	[tilespmem:$0x8C80] =	vst v63  }
0xce: {  	_ =	swait.ge [sflag:s31], $0x10  }
0xcf: {  	[sflag:s31] =	ssyncset.done $0x0  }
0xd0: {  	s26 =	rddreg [dreg:$0xc];
	[sflag:s31] =	ssyncadd.s32 $0xFFFFFFF0  }
0xd1: {  	[hbm4b:s26+s3] =	stream.linear.scatter [tilespmem:s0], [sflag:$0x4], $0x10, $0x38;
	[tilespmem:$0x8C80] =	vst v63  }
0xd2: {  	_ =	swait.ge [sflag:s16], $0x10  }
0xd3: {  	s1 =	sadd.s32 $0x1, s1;
	s28 =	rddreg [dreg:$0xd]  }
0xd4: {  	p0 =	sne.s32 s1, s28  }
.Ltmp1:
0xd5: {  	_ = 	snop;
	(pc) =	sbr.rel @p0 .LBB2_1-.Ltmp1, $3  }
0xd6: {  	_ =	sdelay $0x1  }
0xd7: {  	[sflag:s16] =	ssyncset.done $0x0  }
0xd8: {  	[sflag:s16] =	ssyncadd.s32 $0xFFFFFFF0  }
0xd9: {  	_ =	sfence.sel $0x180000  }
0xda: {  	[bflag:$0x0] =	sbarrier.arrive $0xFFFF  }
0xdb: {  	_ =	strace $0x90000047  }
0xdc: {  	s0 =	stileid.u32;
	[bflag:$0x2] =	sbarrier.arrive $0xFFFF  }
0xdd: {  	p0 =	sne.s32 s0, $0x0;
	s0 =	rddreg [dreg:$0x2]  }
0xde: {  	s0 =	sadd.s32 @!p0 $0x100000, s0  }
0xdf: {  	[sflag:s0] =	ssyncadd.tile.s32 @!p0 $0x1;
	_ =	shalt  }
.Lfunc_end2:
_tile_overlayer_lowered:
.L_overlay_start_2:
0xe0: {  	(tag) =	ssettag $0x2  }
0xe1: {  	s0 =	rddreg [dreg:$0x0];
	s2 =	stileid.u32  }
0xe2: {  	s1 =	rddreg [dreg:$0x1];
	p0 =	sne.s32 s2, $0x0  }
0xe3: {  	s3 =	rddreg [dreg:$0x2];
	[bflag:$0x3] =	sbarrier.arrive $0xFFFF;
	s2 =	simm.s32 @!p0 $0x1C04  }
0xe4: {  	[timem:s3], [sflag:s2] =	dma.local @!p0 [hbm:s0], s1  }
0xe5: {  	s0 =	simm.s32 @!p0 $0x4  }
0xe6: {  	_ =	swait.ge @!p0 [sflag:s0], s1  }
0xe7: {  	s1 =	ssub.s32 @!p0 $0x0, s1;
	[sflag:s0] =	ssyncset.done @!p0 $0x0  }
0xe8: {  	[sflag:s0] =	ssyncadd.s32 @!p0 s1  }
0xe9: {  	[bflag:$0x3] =	sbarrier.arrive $0xFFFF  }
0xea: {  	_ =	shalt  }

</sc_bundles>
